<compile_context>
chip_gen: v7x
topology: tpu7x:2x2x1
jax: 0.10.2.dev20260603
libtpu: 0.0.44.dev20260713+nightly
codegen_flags: <defaults>
</compile_context>

<pallas_src>
import functools

import jax
import jax.numpy as jnp
from jax import lax
from jax.experimental import pallas as pl
from jax.experimental.pallas import tpu as pltpu
from jax.experimental.pallas import tpu_sc as plsc

N_NODES = 10000
N_EDGES = 320000
D = 128

NC = 2
NS = 16
NW = NC * NS

CHUNK = 128
N_CHUNKS = N_EDGES // CHUNK
BASE_CHUNKS = N_CHUNKS // NW
EXTRA = N_CHUNKS - BASE_CHUNKS * NW

NBUF = 3
GROUPS = BASE_CHUNKS // NBUF

ROWS_MAIN = 624

_mesh = plsc.VectorSubcoreMesh(core_axis_name="c", subcore_axis_name="s")


@functools.partial(
    pl.kernel,
    mesh=_mesh,
    out_type=jax.ShapeDtypeStruct((NC, N_NODES, D), jnp.float32),
    scratch_types=[
        pltpu.VMEM_SHARED((N_NODES, D), jnp.float32),
        pltpu.VMEM((NBUF, CHUNK), jnp.int32),
        pltpu.VMEM((NBUF, CHUNK, D), jnp.float32),
        pltpu.SemaphoreType.DMA((NBUF,)),
        pltpu.SemaphoreType.DMA((NBUF,)),
    ],
)
def _sc_scatter_add(x_hbm, idx_hbm, out_hbm, acc, idxr, xb, ld, sc):
    c = lax.axis_index("c")
    s = lax.axis_index("s")
    wid = s * NC + c

    zero16 = jnp.zeros((16,), jnp.float32)

    def _zrow(r, _):
        for q in range(D // 16):
            xb[0, r, pl.ds(q * 16, 16)] = zero16
        return 0

    lax.fori_loop(0, CHUNK, _zrow, 0)
    row0 = s * ROWS_MAIN
    for k in range(ROWS_MAIN // CHUNK):
        pltpu.sync_copy(xb.at[0], acc.at[pl.ds(row0 + k * CHUNK, CHUNK)])
    pltpu.sync_copy(xb.at[0, pl.ds(0, ROWS_MAIN % CHUNK)],
                    acc.at[pl.ds(row0 + (ROWS_MAIN // CHUNK) * CHUNK,
                                 ROWS_MAIN % CHUNK)])

    @pl.when(s < 2)
    def _ztail():
        pltpu.sync_copy(xb.at[0, pl.ds(0, 8)],
                        acc.at[pl.ds(NS * ROWS_MAIN + s * 8, 8)])

    plsc.subcore_barrier()

    def fire_load(b, cg):
        off = cg * CHUNK
        pltpu.async_copy(idx_hbm.at[pl.ds(off, CHUNK)], idxr.at[b], ld.at[b])
        pltpu.async_copy(x_hbm.at[pl.ds(off, CHUNK)], xb.at[b], ld.at[b])

    def wait_load(b):
        pltpu.make_async_copy(
            idx_hbm.at[pl.ds(0, CHUNK)], idxr.at[b], ld.at[b]).wait()
        pltpu.make_async_copy(
            x_hbm.at[pl.ds(0, CHUNK)], xb.at[b], ld.at[b]).wait()

    def fire_sc(b):
        pltpu.async_copy(xb.at[b], acc.at[idxr.at[b]], sc.at[b], add=True)

    def wait_sc(b):
        pltpu.make_async_copy(xb.at[b], acc.at[idxr.at[b]], sc.at[b]).wait()

    fire_load(0, wid + 0 * NW)
    fire_load(1, wid + 1 * NW)

    fire_load(2, wid + 2 * NW)
    wait_load(0)
    fire_sc(0)

    def _group(g, _):
        for b in range(NBUF):
            j = 1 + g * NBUF + b
            wait_sc(b)
            fire_load(b, wid + (j + 2) * NW)
            wait_load((b + 1) % NBUF)
            fire_sc((b + 1) % NBUF)
        return 0

    lax.fori_loop(0, 25, _group, 0)

    wait_sc(0)
    wait_load(1)
    fire_sc(1)
    wait_sc(1)
    wait_load(2)
    fire_sc(2)
    wait_sc(2)

    @pl.when(wid < EXTRA)
    def _tail():
        off = (BASE_CHUNKS * NW + wid) * CHUNK
        pltpu.sync_copy(idx_hbm.at[pl.ds(off, CHUNK)], idxr.at[0])
        pltpu.sync_copy(x_hbm.at[pl.ds(off, CHUNK)], xb.at[0])
        pltpu.sync_copy(xb.at[0], acc.at[idxr.at[0]], add=True)

    plsc.subcore_barrier()

    pltpu.sync_copy(
        acc.at[pl.ds(s * ROWS_MAIN, ROWS_MAIN)],
        out_hbm.at[c, pl.ds(s * ROWS_MAIN, ROWS_MAIN)],
    )

    @pl.when(s < 2)
    def _wtail():
        pltpu.sync_copy(
            acc.at[pl.ds(NS * ROWS_MAIN + s * 8, 8)],
            out_hbm.at[c, pl.ds(NS * ROWS_MAIN + s * 8, 8)],
        )


def _add_body(p_ref, o_ref):
    o_ref[...] = p_ref[0] + p_ref[1]


_ROWS_BLK = 2000


def _combine(partials):
    return pl.pallas_call(
        _add_body,
        grid=(N_NODES // _ROWS_BLK,),
        in_specs=[pl.BlockSpec((NC, _ROWS_BLK, D), lambda i: (0, i, 0))],
        out_specs=pl.BlockSpec((_ROWS_BLK, D), lambda i: (i, 0)),
        out_shape=jax.ShapeDtypeStruct((N_NODES, D), jnp.float32),
    )(partials)


def kernel(x, index):
    partials = _sc_scatter_add(x, index)
    return _combine(partials)

# --- scband reference (transcript-rebuilt; emitter-appended) ---
"""Pipeline reference for scband-multi-edge-agg-module-34737695490539 (READ-ONLY COPY).

The authoritative reference and input builder live on the scoring server;
editing this copy changes nothing except your own understanding.
"""

import jax, jax.numpy as jnp
import numpy as np

N_NODES = 10000
N_EDGES = 320000
D_FEAT = 128


def setup_inputs(seed: int = 0) -> dict:
    key = jax.random.key(seed)
    kx, ki = jax.random.split(key)
    x = jax.random.normal(kx, (N_EDGES, D_FEAT), dtype=jnp.float32)
    index = jax.random.randint(ki, (N_EDGES,), 0, N_NODES, dtype=jnp.int32)
    return {"x": x, "index": index}


def reference(x, index):
    # MultiEdgeAggModule with agg_type='sum' -> SumAgg:
    #   scatter(x, index, dim=0, reduce='sum')
    out = jax.ops.segment_sum(x, index, num_segments=N_NODES)
    return out

if __name__ == "__main__":
    import jax
    _d = setup_inputs()
    print(jax.jit(kernel)(*tuple(_d.values())))

</pallas_src>

<mosaic_0001>
#map = affine_map<(d0, d1) -> (0, 0)>
#map1 = affine_map<(d0, d1) -> (0)>
#map2 = affine_map<(d0, d1) -> (0, 0, 0)>
module attributes {stable_mosaic.version = 14 : i64} {
  func.func @_sc_scatter_add(%arg0: i32, %arg1: i32, %arg2: memref<320000x128xf32, #tpu.memory_space<hbm>>, %arg3: memref<320000xi32, #tpu.memory_space<hbm>>, %arg4: memref<2x10000x128xf32, #tpu.memory_space<hbm>>, %arg5: memref<10000x128xf32, #tpu.memory_space<vmem_shared>>, %arg6: memref<3x128xi32, #tpu.memory_space<vmem>>, %arg7: memref<3x128x128xf32, #tpu.memory_space<vmem>>, %arg8: memref<3x!tpu.dma_semaphore, #tpu.memory_space<semaphore_mem>>, %arg9: memref<3x!tpu.dma_semaphore, #tpu.memory_space<semaphore_mem>>) attributes {dimension_semantics = [#tpu.dimension_semantics<core_parallel>, #tpu.dimension_semantics<subcore_parallel>], iteration_bounds = array<i64: 2, 16>, scalar_prefetch = 0 : i64, scratch_operands = 5 : i64, tpu.core_type = #tpu.core_type<sc_vector_subcore>, window_params = [{transform_indices = #map}, {transform_indices = #map1}, {transform_indices = #map2}]} {
    %mul3A = arith.constant 2 : i32
    %mul3A_0 = arith.muli %arg1, %mul3A : i32
    %add3A = arith.addi %mul3A_0, %arg0 : i32
    %broadcast_in_dim3A = arith.constant 0.000000e+00 : f32
    %broadcast_in_dim3A_1 = vector.broadcast %broadcast_in_dim3A : f32 to vector<16xf32>
    %scan3A = arith.constant 0 : i32
    %scan3A_2 = arith.constant 0 : i32
    %scan3A_3 = arith.constant 128 : i32
    %scan3A_4 = arith.addi %scan3A_2, %scan3A_3 : i32
    %scan3A_5 = arith.constant 1 : i32
    %scan3A_6 = scf.for %scan3A_328 = %scan3A_2 to %scan3A_4 step %scan3A_5 iter_args(%scan3A_329 = %scan3A) -> (i32)  : i32 {
      %swap3A = arith.constant 0 : i32
      %swap3A_330 = arith.index_cast %swap3A : i32 to index
      %swap3A_331 = arith.index_cast %scan3A_328 : i32 to index
      %swap3A_332 = arith.constant 0 : index
      %swap3A_333 = tpu.vector_load %arg7[%swap3A_330, %swap3A_331, %swap3A_332] {strides = array<i32>} : memref<3x128x128xf32, #tpu.memory_space<vmem>>, vector<1x1x16xf32>,
      %swap3A_334 = vector.shape_cast %swap3A_333 : vector<1x1x16xf32> to vector<16xf32>
      %swap3A_335 = vector.shape_cast %broadcast_in_dim3A_1 : vector<16xf32> to vector<1x1x16xf32>
      tpu.vector_store %arg7[%swap3A_330, %swap3A_331, %swap3A_332], %swap3A_335 {strides = array<i32>} : memref<3x128x128xf32, #tpu.memory_space<vmem>>, vector<1x1x16xf32>,
      %swap3A_336 = arith.constant 0 : i32
      %swap3A_337 = arith.index_cast %swap3A_336 : i32 to index
      %swap3A_338 = arith.index_cast %scan3A_328 : i32 to index
      %swap3A_339 = arith.constant 16 : index
      %swap3A_340 = tpu.vector_load %arg7[%swap3A_337, %swap3A_338, %swap3A_339] {strides = array<i32>} : memref<3x128x128xf32, #tpu.memory_space<vmem>>, vector<1x1x16xf32>,
      %swap3A_341 = vector.shape_cast %swap3A_340 : vector<1x1x16xf32> to vector<16xf32>
      %swap3A_342 = vector.shape_cast %broadcast_in_dim3A_1 : vector<16xf32> to vector<1x1x16xf32>
      tpu.vector_store %arg7[%swap3A_337, %swap3A_338, %swap3A_339], %swap3A_342 {strides = array<i32>} : memref<3x128x128xf32, #tpu.memory_space<vmem>>, vector<1x1x16xf32>,
      %swap3A_343 = arith.constant 0 : i32
      %swap3A_344 = arith.index_cast %swap3A_343 : i32 to index
      %swap3A_345 = arith.index_cast %scan3A_328 : i32 to index
      %swap3A_346 = arith.constant 32 : index
      %swap3A_347 = tpu.vector_load %arg7[%swap3A_344, %swap3A_345, %swap3A_346] {strides = array<i32>} : memref<3x128x128xf32, #tpu.memory_space<vmem>>, vector<1x1x16xf32>,
      %swap3A_348 = vector.shape_cast %swap3A_347 : vector<1x1x16xf32> to vector<16xf32>
      %swap3A_349 = vector.shape_cast %broadcast_in_dim3A_1 : vector<16xf32> to vector<1x1x16xf32>
      tpu.vector_store %arg7[%swap3A_344, %swap3A_345, %swap3A_346], %swap3A_349 {strides = array<i32>} : memref<3x128x128xf32, #tpu.memory_space<vmem>>, vector<1x1x16xf32>,
      %swap3A_350 = arith.constant 0 : i32
      %swap3A_351 = arith.index_cast %swap3A_350 : i32 to index
      %swap3A_352 = arith.index_cast %scan3A_328 : i32 to index
      %swap3A_353 = arith.constant 48 : index
      %swap3A_354 = tpu.vector_load %arg7[%swap3A_351, %swap3A_352, %swap3A_353] {strides = array<i32>} : memref<3x128x128xf32, #tpu.memory_space<vmem>>, vector<1x1x16xf32>,
      %swap3A_355 = vector.shape_cast %swap3A_354 : vector<1x1x16xf32> to vector<16xf32>
      %swap3A_356 = vector.shape_cast %broadcast_in_dim3A_1 : vector<16xf32> to vector<1x1x16xf32>
      tpu.vector_store %arg7[%swap3A_351, %swap3A_352, %swap3A_353], %swap3A_356 {strides = array<i32>} : memref<3x128x128xf32, #tpu.memory_space<vmem>>, vector<1x1x16xf32>,
      %swap3A_357 = arith.constant 0 : i32
      %swap3A_358 = arith.index_cast %swap3A_357 : i32 to index
      %swap3A_359 = arith.index_cast %scan3A_328 : i32 to index
      %swap3A_360 = arith.constant 64 : index
      %swap3A_361 = tpu.vector_load %arg7[%swap3A_358, %swap3A_359, %swap3A_360] {strides = array<i32>} : memref<3x128x128xf32, #tpu.memory_space<vmem>>, vector<1x1x16xf32>,
      %swap3A_362 = vector.shape_cast %swap3A_361 : vector<1x1x16xf32> to vector<16xf32>
      %swap3A_363 = vector.shape_cast %broadcast_in_dim3A_1 : vector<16xf32> to vector<1x1x16xf32>
      tpu.vector_store %arg7[%swap3A_358, %swap3A_359, %swap3A_360], %swap3A_363 {strides = array<i32>} : memref<3x128x128xf32, #tpu.memory_space<vmem>>, vector<1x1x16xf32>,
      %swap3A_364 = arith.constant 0 : i32
      %swap3A_365 = arith.index_cast %swap3A_364 : i32 to index
      %swap3A_366 = arith.index_cast %scan3A_328 : i32 to index
      %swap3A_367 = arith.constant 80 : index
      %swap3A_368 = tpu.vector_load %arg7[%swap3A_365, %swap3A_366, %swap3A_367] {strides = array<i32>} : memref<3x128x128xf32, #tpu.memory_space<vmem>>, vector<1x1x16xf32>,
      %swap3A_369 = vector.shape_cast %swap3A_368 : vector<1x1x16xf32> to vector<16xf32>
      %swap3A_370 = vector.shape_cast %broadcast_in_dim3A_1 : vector<16xf32> to vector<1x1x16xf32>
      tpu.vector_store %arg7[%swap3A_365, %swap3A_366, %swap3A_367], %swap3A_370 {strides = array<i32>} : memref<3x128x128xf32, #tpu.memory_space<vmem>>, vector<1x1x16xf32>,
      %swap3A_371 = arith.constant 0 : i32
      %swap3A_372 = arith.index_cast %swap3A_371 : i32 to index
      %swap3A_373 = arith.index_cast %scan3A_328 : i32 to index
      %swap3A_374 = arith.constant 96 : index
      %swap3A_375 = tpu.vector_load %arg7[%swap3A_372, %swap3A_373, %swap3A_374] {strides = array<i32>} : memref<3x128x128xf32, #tpu.memory_space<vmem>>, vector<1x1x16xf32>,
      %swap3A_376 = vector.shape_cast %swap3A_375 : vector<1x1x16xf32> to vector<16xf32>
      %swap3A_377 = vector.shape_cast %broadcast_in_dim3A_1 : vector<16xf32> to vector<1x1x16xf32>
      tpu.vector_store %arg7[%swap3A_372, %swap3A_373, %swap3A_374], %swap3A_377 {strides = array<i32>} : memref<3x128x128xf32, #tpu.memory_space<vmem>>, vector<1x1x16xf32>,
      %swap3A_378 = arith.constant 0 : i32
      %swap3A_379 = arith.index_cast %swap3A_378 : i32 to index
      %swap3A_380 = arith.index_cast %scan3A_328 : i32 to index
      %swap3A_381 = arith.constant 112 : index
      %swap3A_382 = tpu.vector_load %arg7[%swap3A_379, %swap3A_380, %swap3A_381] {strides = array<i32>} : memref<3x128x128xf32, #tpu.memory_space<vmem>>, vector<1x1x16xf32>,
      %swap3A_383 = vector.shape_cast %swap3A_382 : vector<1x1x16xf32> to vector<16xf32>
      %swap3A_384 = vector.shape_cast %broadcast_in_dim3A_1 : vector<16xf32> to vector<1x1x16xf32>
      tpu.vector_store %arg7[%swap3A_379, %swap3A_380, %swap3A_381], %swap3A_384 {strides = array<i32>} : memref<3x128x128xf32, #tpu.memory_space<vmem>>, vector<1x1x16xf32>,
      %scan3A_385 = arith.constant 0 : i32
      scf.yield %scan3A_385 : i32
    }
    %scan3A_7 = arith.constant 128 : i32
    %mul3A_8 = arith.constant 624 : i32
    %mul3A_9 = arith.muli %arg1, %mul3A_8 : i32
    %add3A_10 = arith.constant 0 : i32
    %add3A_11 = arith.addi %mul3A_9, %add3A_10 : i32
    %run_scoped3A = arith.constant 0 : i32
    "tpu.region"() ({
      %run_scoped3A_328 = tpu.sem_alloc : memref<!tpu.dma_semaphore, #tpu.memory_space<semaphore_mem>>
      %dma_start3A_329 = arith.constant 0 : i32
      %dma_start3A_330 = arith.constant 0 : i32
      %dma_start3A_331 = tpu.memref_slice %arg7[%run_scoped3A, %dma_start3A_329, %dma_start3A_330] : memref<3x128x128xf32, #tpu.memory_space<vmem>> -> memref<1x128x128xf32, #tpu.memory_space<vmem>>
      %dma_start3A_332 = tpu.memref_squeeze %dma_start3A_331 : memref<1x128x128xf32, #tpu.memory_space<vmem>> -> memref<128x128xf32, #tpu.memory_space<vmem>>
      %dma_start3A_333 = arith.constant 0 : i32
      %dma_start3A_334 = tpu.memref_slice %arg5[%add3A_11, %dma_start3A_333] : memref<10000x128xf32, #tpu.memory_space<vmem_shared>> -> memref<128x128xf32, #tpu.memory_space<vmem_shared>>
      %dma_start3A_335 = arith.constant 0 : i32
      %dma_start3A_336 = tpu.memref_slice %arg5[%add3A_11, %dma_start3A_335] : memref<10000x128xf32, #tpu.memory_space<vmem_shared>> -> memref<128x128xf32, #tpu.memory_space<vmem_shared>>
      %dma_start3A_337 = arith.constant 0 : i32
      %dma_start3A_338 = arith.constant 0 : i32
      %dma_start3A_339 = tpu.memref_slice %arg7[%run_scoped3A, %dma_start3A_337, %dma_start3A_338] : memref<3x128x128xf32, #tpu.memory_space<vmem>> -> memref<1x128x128xf32, #tpu.memory_space<vmem>>
      %dma_start3A_340 = tpu.memref_squeeze %dma_start3A_339 : memref<1x128x128xf32, #tpu.memory_space<vmem>> -> memref<128x128xf32, #tpu.memory_space<vmem>>
      tpu.enqueue_dma source(%dma_start3A_340 : memref<128x128xf32, #tpu.memory_space<vmem>>) target(%dma_start3A_336 : memref<128x128xf32, #tpu.memory_space<vmem_shared>>) target_semaphore(%run_scoped3A_328 : memref<!tpu.dma_semaphore, #tpu.memory_space<semaphore_mem>>)
      %dma_wait3A_341 = arith.constant 0 : i32
      %dma_wait3A_342 = arith.constant 0 : i32
      %dma_wait3A_343 = tpu.memref_slice %arg7[%run_scoped3A, %dma_wait3A_341, %dma_wait3A_342] : memref<3x128x128xf32, #tpu.memory_space<vmem>> -> memref<1x128x128xf32, #tpu.memory_space<vmem>>
      %dma_wait3A_344 = tpu.memref_squeeze %dma_wait3A_343 : memref<1x128x128xf32, #tpu.memory_space<vmem>> -> memref<128x128xf32, #tpu.memory_space<vmem>>
      %dma_wait3A_345 = arith.constant 0 : i32
      %dma_wait3A_346 = tpu.memref_slice %arg5[%add3A_11, %dma_wait3A_345] : memref<10000x128xf32, #tpu.memory_space<vmem_shared>> -> memref<128x128xf32, #tpu.memory_space<vmem_shared>>
      %dma_wait3A_347 = arith.constant 0 : i32
      %dma_wait3A_348 = tpu.memref_slice %arg5[%add3A_11, %dma_wait3A_347] : memref<10000x128xf32, #tpu.memory_space<vmem_shared>> -> memref<128x128xf32, #tpu.memory_space<vmem_shared>>
      %dma_wait3A_349 = arith.constant 0 : i32
      %dma_wait3A_350 = arith.constant 0 : i32
      %dma_wait3A_351 = tpu.memref_slice %arg7[%run_scoped3A, %dma_wait3A_349, %dma_wait3A_350] : memref<3x128x128xf32, #tpu.memory_space<vmem>> -> memref<1x128x128xf32, #tpu.memory_space<vmem>>
      %dma_wait3A_352 = tpu.memref_squeeze %dma_wait3A_351 : memref<1x128x128xf32, #tpu.memory_space<vmem>> -> memref<128x128xf32, #tpu.memory_space<vmem>>
      tpu.wait_dma2 semaphore(%run_scoped3A_328 : memref<!tpu.dma_semaphore, #tpu.memory_space<semaphore_mem>>) src(%dma_wait3A_352 : memref<128x128xf32, #tpu.memory_space<vmem>>) dst(%dma_wait3A_348 : memref<128x128xf32, #tpu.memory_space<vmem_shared>>)
      tpu.yield
    }) : () -> ()
    %add3A_12 = arith.constant 128 : i32
    %add3A_13 = arith.addi %mul3A_9, %add3A_12 : i32
    %run_scoped3A_14 = arith.constant 0 : i32
    "tpu.region"() ({
      %run_scoped3A_328 = tpu.sem_alloc : memref<!tpu.dma_semaphore, #tpu.memory_space<semaphore_mem>>
      %dma_start3A_329 = arith.constant 0 : i32
      %dma_start3A_330 = arith.constant 0 : i32
      %dma_start3A_331 = tpu.memref_slice %arg7[%run_scoped3A_14, %dma_start3A_329, %dma_start3A_330] : memref<3x128x128xf32, #tpu.memory_space<vmem>> -> memref<1x128x128xf32, #tpu.memory_space<vmem>>
      %dma_start3A_332 = tpu.memref_squeeze %dma_start3A_331 : memref<1x128x128xf32, #tpu.memory_space<vmem>> -> memref<128x128xf32, #tpu.memory_space<vmem>>
      %dma_start3A_333 = arith.constant 0 : i32
      %dma_start3A_334 = tpu.memref_slice %arg5[%add3A_13, %dma_start3A_333] : memref<10000x128xf32, #tpu.memory_space<vmem_shared>> -> memref<128x128xf32, #tpu.memory_space<vmem_shared>>
      %dma_start3A_335 = arith.constant 0 : i32
      %dma_start3A_336 = tpu.memref_slice %arg5[%add3A_13, %dma_start3A_335] : memref<10000x128xf32, #tpu.memory_space<vmem_shared>> -> memref<128x128xf32, #tpu.memory_space<vmem_shared>>
      %dma_start3A_337 = arith.constant 0 : i32
      %dma_start3A_338 = arith.constant 0 : i32
      %dma_start3A_339 = tpu.memref_slice %arg7[%run_scoped3A_14, %dma_start3A_337, %dma_start3A_338] : memref<3x128x128xf32, #tpu.memory_space<vmem>> -> memref<1x128x128xf32, #tpu.memory_space<vmem>>
      %dma_start3A_340 = tpu.memref_squeeze %dma_start3A_339 : memref<1x128x128xf32, #tpu.memory_space<vmem>> -> memref<128x128xf32, #tpu.memory_space<vmem>>
      tpu.enqueue_dma source(%dma_start3A_340 : memref<128x128xf32, #tpu.memory_space<vmem>>) target(%dma_start3A_336 : memref<128x128xf32, #tpu.memory_space<vmem_shared>>) target_semaphore(%run_scoped3A_328 : memref<!tpu.dma_semaphore, #tpu.memory_space<semaphore_mem>>)
      %dma_wait3A_341 = arith.constant 0 : i32
      %dma_wait3A_342 = arith.constant 0 : i32
      %dma_wait3A_343 = tpu.memref_slice %arg7[%run_scoped3A_14, %dma_wait3A_341, %dma_wait3A_342] : memref<3x128x128xf32, #tpu.memory_space<vmem>> -> memref<1x128x128xf32, #tpu.memory_space<vmem>>
      %dma_wait3A_344 = tpu.memref_squeeze %dma_wait3A_343 : memref<1x128x128xf32, #tpu.memory_space<vmem>> -> memref<128x128xf32, #tpu.memory_space<vmem>>
      %dma_wait3A_345 = arith.constant 0 : i32
      %dma_wait3A_346 = tpu.memref_slice %arg5[%add3A_13, %dma_wait3A_345] : memref<10000x128xf32, #tpu.memory_space<vmem_shared>> -> memref<128x128xf32, #tpu.memory_space<vmem_shared>>
      %dma_wait3A_347 = arith.constant 0 : i32
      %dma_wait3A_348 = tpu.memref_slice %arg5[%add3A_13, %dma_wait3A_347] : memref<10000x128xf32, #tpu.memory_space<vmem_shared>> -> memref<128x128xf32, #tpu.memory_space<vmem_shared>>
      %dma_wait3A_349 = arith.constant 0 : i32
      %dma_wait3A_350 = arith.constant 0 : i32
      %dma_wait3A_351 = tpu.memref_slice %arg7[%run_scoped3A_14, %dma_wait3A_349, %dma_wait3A_350] : memref<3x128x128xf32, #tpu.memory_space<vmem>> -> memref<1x128x128xf32, #tpu.memory_space<vmem>>
      %dma_wait3A_352 = tpu.memref_squeeze %dma_wait3A_351 : memref<1x128x128xf32, #tpu.memory_space<vmem>> -> memref<128x128xf32, #tpu.memory_space<vmem>>
      tpu.wait_dma2 semaphore(%run_scoped3A_328 : memref<!tpu.dma_semaphore, #tpu.memory_space<semaphore_mem>>) src(%dma_wait3A_352 : memref<128x128xf32, #tpu.memory_space<vmem>>) dst(%dma_wait3A_348 : memref<128x128xf32, #tpu.memory_space<vmem_shared>>)
      tpu.yield
    }) : () -> ()
    %add3A_15 = arith.constant 256 : i32
    %add3A_16 = arith.addi %mul3A_9, %add3A_15 : i32
    %run_scoped3A_17 = arith.constant 0 : i32
    "tpu.region"() ({
      %run_scoped3A_328 = tpu.sem_alloc : memref<!tpu.dma_semaphore, #tpu.memory_space<semaphore_mem>>
      %dma_start3A_329 = arith.constant 0 : i32
      %dma_start3A_330 = arith.constant 0 : i32
      %dma_start3A_331 = tpu.memref_slice %arg7[%run_scoped3A_17, %dma_start3A_329, %dma_start3A_330] : memref<3x128x128xf32, #tpu.memory_space<vmem>> -> memref<1x128x128xf32, #tpu.memory_space<vmem>>
      %dma_start3A_332 = tpu.memref_squeeze %dma_start3A_331 : memref<1x128x128xf32, #tpu.memory_space<vmem>> -> memref<128x128xf32, #tpu.memory_space<vmem>>
      %dma_start3A_333 = arith.constant 0 : i32
      %dma_start3A_334 = tpu.memref_slice %arg5[%add3A_16, %dma_start3A_333] : memref<10000x128xf32, #tpu.memory_space<vmem_shared>> -> memref<128x128xf32, #tpu.memory_space<vmem_shared>>
      %dma_start3A_335 = arith.constant 0 : i32
      %dma_start3A_336 = tpu.memref_slice %arg5[%add3A_16, %dma_start3A_335] : memref<10000x128xf32, #tpu.memory_space<vmem_shared>> -> memref<128x128xf32, #tpu.memory_space<vmem_shared>>
      %dma_start3A_337 = arith.constant 0 : i32
      %dma_start3A_338 = arith.constant 0 : i32
      %dma_start3A_339 = tpu.memref_slice %arg7[%run_scoped3A_17, %dma_start3A_337, %dma_start3A_338] : memref<3x128x128xf32, #tpu.memory_space<vmem>> -> memref<1x128x128xf32, #tpu.memory_space<vmem>>
      %dma_start3A_340 = tpu.memref_squeeze %dma_start3A_339 : memref<1x128x128xf32, #tpu.memory_space<vmem>> -> memref<128x128xf32, #tpu.memory_space<vmem>>
      tpu.enqueue_dma source(%dma_start3A_340 : memref<128x128xf32, #tpu.memory_space<vmem>>) target(%dma_start3A_336 : memref<128x128xf32, #tpu.memory_space<vmem_shared>>) target_semaphore(%run_scoped3A_328 : memref<!tpu.dma_semaphore, #tpu.memory_space<semaphore_mem>>)
      %dma_wait3A_341 = arith.constant 0 : i32
      %dma_wait3A_342 = arith.constant 0 : i32
      %dma_wait3A_343 = tpu.memref_slice %arg7[%run_scoped3A_17, %dma_wait3A_341, %dma_wait3A_342] : memref<3x128x128xf32, #tpu.memory_space<vmem>> -> memref<1x128x128xf32, #tpu.memory_space<vmem>>
      %dma_wait3A_344 = tpu.memref_squeeze %dma_wait3A_343 : memref<1x128x128xf32, #tpu.memory_space<vmem>> -> memref<128x128xf32, #tpu.memory_space<vmem>>
      %dma_wait3A_345 = arith.constant 0 : i32
      %dma_wait3A_346 = tpu.memref_slice %arg5[%add3A_16, %dma_wait3A_345] : memref<10000x128xf32, #tpu.memory_space<vmem_shared>> -> memref<128x128xf32, #tpu.memory_space<vmem_shared>>
      %dma_wait3A_347 = arith.constant 0 : i32
      %dma_wait3A_348 = tpu.memref_slice %arg5[%add3A_16, %dma_wait3A_347] : memref<10000x128xf32, #tpu.memory_space<vmem_shared>> -> memref<128x128xf32, #tpu.memory_space<vmem_shared>>
      %dma_wait3A_349 = arith.constant 0 : i32
      %dma_wait3A_350 = arith.constant 0 : i32
      %dma_wait3A_351 = tpu.memref_slice %arg7[%run_scoped3A_17, %dma_wait3A_349, %dma_wait3A_350] : memref<3x128x128xf32, #tpu.memory_space<vmem>> -> memref<1x128x128xf32, #tpu.memory_space<vmem>>
      %dma_wait3A_352 = tpu.memref_squeeze %dma_wait3A_351 : memref<1x128x128xf32, #tpu.memory_space<vmem>> -> memref<128x128xf32, #tpu.memory_space<vmem>>
      tpu.wait_dma2 semaphore(%run_scoped3A_328 : memref<!tpu.dma_semaphore, #tpu.memory_space<semaphore_mem>>) src(%dma_wait3A_352 : memref<128x128xf32, #tpu.memory_space<vmem>>) dst(%dma_wait3A_348 : memref<128x128xf32, #tpu.memory_space<vmem_shared>>)
      tpu.yield
    }) : () -> ()
    %add3A_18 = arith.constant 384 : i32
    %add3A_19 = arith.addi %mul3A_9, %add3A_18 : i32
    %run_scoped3A_20 = arith.constant 0 : i32
    "tpu.region"() ({
      %run_scoped3A_328 = tpu.sem_alloc : memref<!tpu.dma_semaphore, #tpu.memory_space<semaphore_mem>>
      %dma_start3A_329 = arith.constant 0 : i32
      %dma_start3A_330 = arith.constant 0 : i32
      %dma_start3A_331 = tpu.memref_slice %arg7[%run_scoped3A_20, %dma_start3A_329, %dma_start3A_330] : memref<3x128x128xf32, #tpu.memory_space<vmem>> -> memref<1x128x128xf32, #tpu.memory_space<vmem>>
      %dma_start3A_332 = tpu.memref_squeeze %dma_start3A_331 : memref<1x128x128xf32, #tpu.memory_space<vmem>> -> memref<128x128xf32, #tpu.memory_space<vmem>>
      %dma_start3A_333 = arith.constant 0 : i32
      %dma_start3A_334 = tpu.memref_slice %arg5[%add3A_19, %dma_start3A_333] : memref<10000x128xf32, #tpu.memory_space<vmem_shared>> -> memref<128x128xf32, #tpu.memory_space<vmem_shared>>
      %dma_start3A_335 = arith.constant 0 : i32
      %dma_start3A_336 = tpu.memref_slice %arg5[%add3A_19, %dma_start3A_335] : memref<10000x128xf32, #tpu.memory_space<vmem_shared>> -> memref<128x128xf32, #tpu.memory_space<vmem_shared>>
      %dma_start3A_337 = arith.constant 0 : i32
      %dma_start3A_338 = arith.constant 0 : i32
      %dma_start3A_339 = tpu.memref_slice %arg7[%run_scoped3A_20, %dma_start3A_337, %dma_start3A_338] : memref<3x128x128xf32, #tpu.memory_space<vmem>> -> memref<1x128x128xf32, #tpu.memory_space<vmem>>
      %dma_start3A_340 = tpu.memref_squeeze %dma_start3A_339 : memref<1x128x128xf32, #tpu.memory_space<vmem>> -> memref<128x128xf32, #tpu.memory_space<vmem>>
      tpu.enqueue_dma source(%dma_start3A_340 : memref<128x128xf32, #tpu.memory_space<vmem>>) target(%dma_start3A_336 : memref<128x128xf32, #tpu.memory_space<vmem_shared>>) target_semaphore(%run_scoped3A_328 : memref<!tpu.dma_semaphore, #tpu.memory_space<semaphore_mem>>)
      %dma_wait3A_341 = arith.constant 0 : i32
      %dma_wait3A_342 = arith.constant 0 : i32
      %dma_wait3A_343 = tpu.memref_slice %arg7[%run_scoped3A_20, %dma_wait3A_341, %dma_wait3A_342] : memref<3x128x128xf32, #tpu.memory_space<vmem>> -> memref<1x128x128xf32, #tpu.memory_space<vmem>>
      %dma_wait3A_344 = tpu.memref_squeeze %dma_wait3A_343 : memref<1x128x128xf32, #tpu.memory_space<vmem>> -> memref<128x128xf32, #tpu.memory_space<vmem>>
      %dma_wait3A_345 = arith.constant 0 : i32
      %dma_wait3A_346 = tpu.memref_slice %arg5[%add3A_19, %dma_wait3A_345] : memref<10000x128xf32, #tpu.memory_space<vmem_shared>> -> memref<128x128xf32, #tpu.memory_space<vmem_shared>>
      %dma_wait3A_347 = arith.constant 0 : i32
      %dma_wait3A_348 = tpu.memref_slice %arg5[%add3A_19, %dma_wait3A_347] : memref<10000x128xf32, #tpu.memory_space<vmem_shared>> -> memref<128x128xf32, #tpu.memory_space<vmem_shared>>
      %dma_wait3A_349 = arith.constant 0 : i32
      %dma_wait3A_350 = arith.constant 0 : i32
      %dma_wait3A_351 = tpu.memref_slice %arg7[%run_scoped3A_20, %dma_wait3A_349, %dma_wait3A_350] : memref<3x128x128xf32, #tpu.memory_space<vmem>> -> memref<1x128x128xf32, #tpu.memory_space<vmem>>
      %dma_wait3A_352 = tpu.memref_squeeze %dma_wait3A_351 : memref<1x128x128xf32, #tpu.memory_space<vmem>> -> memref<128x128xf32, #tpu.memory_space<vmem>>
      tpu.wait_dma2 semaphore(%run_scoped3A_328 : memref<!tpu.dma_semaphore, #tpu.memory_space<semaphore_mem>>) src(%dma_wait3A_352 : memref<128x128xf32, #tpu.memory_space<vmem>>) dst(%dma_wait3A_348 : memref<128x128xf32, #tpu.memory_space<vmem_shared>>)
      tpu.yield
    }) : () -> ()
    %add3A_21 = arith.constant 512 : i32
    %add3A_22 = arith.addi %mul3A_9, %add3A_21 : i32
    %run_scoped3A_23 = arith.constant 0 : i32
    "tpu.region"() ({
      %run_scoped3A_328 = tpu.sem_alloc : memref<!tpu.dma_semaphore, #tpu.memory_space<semaphore_mem>>
      %dma_start3A_329 = arith.constant 0 : i32
      %dma_start3A_330 = arith.constant 0 : i32
      %dma_start3A_331 = tpu.memref_slice %arg7[%run_scoped3A_23, %dma_start3A_329, %dma_start3A_330] : memref<3x128x128xf32, #tpu.memory_space<vmem>> -> memref<1x112x128xf32, #tpu.memory_space<vmem>>
      %dma_start3A_332 = tpu.memref_squeeze %dma_start3A_331 : memref<1x112x128xf32, #tpu.memory_space<vmem>> -> memref<112x128xf32, #tpu.memory_space<vmem>>
      %dma_start3A_333 = arith.constant 0 : i32
      %dma_start3A_334 = tpu.memref_slice %arg5[%add3A_22, %dma_start3A_333] : memref<10000x128xf32, #tpu.memory_space<vmem_shared>> -> memref<112x128xf32, #tpu.memory_space<vmem_shared>>
      %dma_start3A_335 = arith.constant 0 : i32
      %dma_start3A_336 = tpu.memref_slice %arg5[%add3A_22, %dma_start3A_335] : memref<10000x128xf32, #tpu.memory_space<vmem_shared>> -> memref<112x128xf32, #tpu.memory_space<vmem_shared>>
      %dma_start3A_337 = arith.constant 0 : i32
      %dma_start3A_338 = arith.constant 0 : i32
      %dma_start3A_339 = tpu.memref_slice %arg7[%run_scoped3A_23, %dma_start3A_337, %dma_start3A_338] : memref<3x128x128xf32, #tpu.memory_space<vmem>> -> memref<1x112x128xf32, #tpu.memory_space<vmem>>
      %dma_start3A_340 = tpu.memref_squeeze %dma_start3A_339 : memref<1x112x128xf32, #tpu.memory_space<vmem>> -> memref<112x128xf32, #tpu.memory_space<vmem>>
      tpu.enqueue_dma source(%dma_start3A_340 : memref<112x128xf32, #tpu.memory_space<vmem>>) target(%dma_start3A_336 : memref<112x128xf32, #tpu.memory_space<vmem_shared>>) target_semaphore(%run_scoped3A_328 : memref<!tpu.dma_semaphore, #tpu.memory_space<semaphore_mem>>)
      %dma_wait3A_341 = arith.constant 0 : i32
      %dma_wait3A_342 = arith.constant 0 : i32
      %dma_wait3A_343 = tpu.memref_slice %arg7[%run_scoped3A_23, %dma_wait3A_341, %dma_wait3A_342] : memref<3x128x128xf32, #tpu.memory_space<vmem>> -> memref<1x112x128xf32, #tpu.memory_space<vmem>>
      %dma_wait3A_344 = tpu.memref_squeeze %dma_wait3A_343 : memref<1x112x128xf32, #tpu.memory_space<vmem>> -> memref<112x128xf32, #tpu.memory_space<vmem>>
      %dma_wait3A_345 = arith.constant 0 : i32
      %dma_wait3A_346 = tpu.memref_slice %arg5[%add3A_22, %dma_wait3A_345] : memref<10000x128xf32, #tpu.memory_space<vmem_shared>> -> memref<112x128xf32, #tpu.memory_space<vmem_shared>>
      %dma_wait3A_347 = arith.constant 0 : i32
      %dma_wait3A_348 = tpu.memref_slice %arg5[%add3A_22, %dma_wait3A_347] : memref<10000x128xf32, #tpu.memory_space<vmem_shared>> -> memref<112x128xf32, #tpu.memory_space<vmem_shared>>
      %dma_wait3A_349 = arith.constant 0 : i32
      %dma_wait3A_350 = arith.constant 0 : i32
      %dma_wait3A_351 = tpu.memref_slice %arg7[%run_scoped3A_23, %dma_wait3A_349, %dma_wait3A_350] : memref<3x128x128xf32, #tpu.memory_space<vmem>> -> memref<1x112x128xf32, #tpu.memory_space<vmem>>
      %dma_wait3A_352 = tpu.memref_squeeze %dma_wait3A_351 : memref<1x112x128xf32, #tpu.memory_space<vmem>> -> memref<112x128xf32, #tpu.memory_space<vmem>>
      tpu.wait_dma2 semaphore(%run_scoped3A_328 : memref<!tpu.dma_semaphore, #tpu.memory_space<semaphore_mem>>) src(%dma_wait3A_352 : memref<112x128xf32, #tpu.memory_space<vmem>>) dst(%dma_wait3A_348 : memref<112x128xf32, #tpu.memory_space<vmem_shared>>)
      tpu.yield
    }) : () -> ()
    %lt3A = arith.constant 2 : i32
    %lt3A_24 = arith.cmpi slt, %arg1, %lt3A : i32
    %convert_element_type3A = arith.extui %lt3A_24 : i1 to i32
    %cond3A = arith.constant 0 : i32
    %cond3A_25 = arith.cmpi ne, %convert_element_type3A, %cond3A : i32
    scf.if %cond3A_25 {
      %mul3A_328 = arith.constant 8 : i32
      %mul3A_329 = arith.muli %arg1, %mul3A_328 : i32
      %add3A_330 = arith.constant 9984 : i32
      %add3A_331 = arith.addi %add3A_330, %mul3A_329 : i32
      %run_scoped3A_332 = arith.constant 0 : i32
      "tpu.region"() ({
        %run_scoped3A_333 = tpu.sem_alloc : memref<!tpu.dma_semaphore, #tpu.memory_space<semaphore_mem>>
        %dma_start3A_334 = arith.constant 0 : i32
        %dma_start3A_335 = arith.constant 0 : i32
        %dma_start3A_336 = tpu.memref_slice %arg7[%run_scoped3A_332, %dma_start3A_334, %dma_start3A_335] : memref<3x128x128xf32, #tpu.memory_space<vmem>> -> memref<1x8x128xf32, #tpu.memory_space<vmem>>
        %dma_start3A_337 = tpu.memref_squeeze %dma_start3A_336 : memref<1x8x128xf32, #tpu.memory_space<vmem>> -> memref<8x128xf32, #tpu.memory_space<vmem>>
        %dma_start3A_338 = arith.constant 0 : i32
        %dma_start3A_339 = tpu.memref_slice %arg5[%add3A_331, %dma_start3A_338] : memref<10000x128xf32, #tpu.memory_space<vmem_shared>> -> memref<8x128xf32, #tpu.memory_space<vmem_shared>>
        %dma_start3A_340 = arith.constant 0 : i32
        %dma_start3A_341 = tpu.memref_slice %arg5[%add3A_331, %dma_start3A_340] : memref<10000x128xf32, #tpu.memory_space<vmem_shared>> -> memref<8x128xf32, #tpu.memory_space<vmem_shared>>
        %dma_start3A_342 = arith.constant 0 : i32
        %dma_start3A_343 = arith.constant 0 : i32
        %dma_start3A_344 = tpu.memref_slice %arg7[%run_scoped3A_332, %dma_start3A_342, %dma_start3A_343] : memref<3x128x128xf32, #tpu.memory_space<vmem>> -> memref<1x8x128xf32, #tpu.memory_space<vmem>>
        %dma_start3A_345 = tpu.memref_squeeze %dma_start3A_344 : memref<1x8x128xf32, #tpu.memory_space<vmem>> -> memref<8x128xf32, #tpu.memory_space<vmem>>
        tpu.enqueue_dma source(%dma_start3A_345 : memref<8x128xf32, #tpu.memory_space<vmem>>) target(%dma_start3A_341 : memref<8x128xf32, #tpu.memory_space<vmem_shared>>) target_semaphore(%run_scoped3A_333 : memref<!tpu.dma_semaphore, #tpu.memory_space<semaphore_mem>>)
        %dma_wait3A_346 = arith.constant 0 : i32
        %dma_wait3A_347 = arith.constant 0 : i32
        %dma_wait3A_348 = tpu.memref_slice %arg7[%run_scoped3A_332, %dma_wait3A_346, %dma_wait3A_347] : memref<3x128x128xf32, #tpu.memory_space<vmem>> -> memref<1x8x128xf32, #tpu.memory_space<vmem>>
        %dma_wait3A_349 = tpu.memref_squeeze %dma_wait3A_348 : memref<1x8x128xf32, #tpu.memory_space<vmem>> -> memref<8x128xf32, #tpu.memory_space<vmem>>
        %dma_wait3A_350 = arith.constant 0 : i32
        %dma_wait3A_351 = tpu.memref_slice %arg5[%add3A_331, %dma_wait3A_350] : memref<10000x128xf32, #tpu.memory_space<vmem_shared>> -> memref<8x128xf32, #tpu.memory_space<vmem_shared>>
        %dma_wait3A_352 = arith.constant 0 : i32
        %dma_wait3A_353 = tpu.memref_slice %arg5[%add3A_331, %dma_wait3A_352] : memref<10000x128xf32, #tpu.memory_space<vmem_shared>> -> memref<8x128xf32, #tpu.memory_space<vmem_shared>>
        %dma_wait3A_354 = arith.constant 0 : i32
        %dma_wait3A_355 = arith.constant 0 : i32
        %dma_wait3A_356 = tpu.memref_slice %arg7[%run_scoped3A_332, %dma_wait3A_354, %dma_wait3A_355] : memref<3x128x128xf32, #tpu.memory_space<vmem>> -> memref<1x8x128xf32, #tpu.memory_space<vmem>>
        %dma_wait3A_357 = tpu.memref_squeeze %dma_wait3A_356 : memref<1x8x128xf32, #tpu.memory_space<vmem>> -> memref<8x128xf32, #tpu.memory_space<vmem>>
        tpu.wait_dma2 semaphore(%run_scoped3A_333 : memref<!tpu.dma_semaphore, #tpu.memory_space<semaphore_mem>>) src(%dma_wait3A_357 : memref<8x128xf32, #tpu.memory_space<vmem>>) dst(%dma_wait3A_353 : memref<8x128xf32, #tpu.memory_space<vmem_shared>>)
        tpu.yield
      }) : () -> ()
    } else {
    }
    %barrier3A = arith.constant 0 : index
    tpu.barrier barrier_id(%barrier3A)
    %add3A_26 = arith.constant 0 : i32
    %add3A_27 = arith.addi %add3A, %add3A_26 : i32
    %mul3A_28 = arith.constant 128 : i32
    %mul3A_29 = arith.muli %add3A_27, %mul3A_28 : i32
    %dma_start3A = arith.constant 0 : i32
    %dma_start3A_30 = arith.constant 0 : i32
    %dma_start3A_31 = arith.constant 0 : i32
    %dma_start3A_32 = tpu.memref_slice %arg6[%dma_start3A, %dma_start3A_31] : memref<3x128xi32, #tpu.memory_space<vmem>> -> memref<1x128xi32, #tpu.memory_space<vmem>>
    %dma_start3A_33 = tpu.memref_squeeze %dma_start3A_32 : memref<1x128xi32, #tpu.memory_space<vmem>> -> memref<128xi32, #tpu.memory_space<vmem>>
    %dma_start3A_34 = tpu.memref_slice %arg3[%mul3A_29] : memref<320000xi32, #tpu.memory_space<hbm>> -> memref<128xi32, #tpu.memory_space<hbm>>
    %dma_start3A_35 = tpu.memref_slice %arg8[%dma_start3A_30] : memref<3x!tpu.dma_semaphore, #tpu.memory_space<semaphore_mem>> -> memref<1x!tpu.dma_semaphore, #tpu.memory_space<semaphore_mem>>
    %dma_start3A_36 = tpu.memref_squeeze %dma_start3A_35 : memref<1x!tpu.dma_semaphore, #tpu.memory_space<semaphore_mem>> -> memref<!tpu.dma_semaphore, #tpu.memory_space<semaphore_mem>>
    %dma_start3A_37 = arith.constant 0 : i32
    %dma_start3A_38 = tpu.memref_slice %arg6[%dma_start3A, %dma_start3A_37] : memref<3x128xi32, #tpu.memory_space<vmem>> -> memref<1x128xi32, #tpu.memory_space<vmem>>
    %dma_start3A_39 = tpu.memref_squeeze %dma_start3A_38 : memref<1x128xi32, #tpu.memory_space<vmem>> -> memref<128xi32, #tpu.memory_space<vmem>>
    %dma_start3A_40 = tpu.memref_slice %arg3[%mul3A_29] : memref<320000xi32, #tpu.memory_space<hbm>> -> memref<128xi32, #tpu.memory_space<hbm>>
    tpu.enqueue_dma source(%dma_start3A_40 : memref<128xi32, #tpu.memory_space<hbm>>) target(%dma_start3A_39 : memref<128xi32, #tpu.memory_space<vmem>>) target_semaphore(%dma_start3A_36 : memref<!tpu.dma_semaphore, #tpu.memory_space<semaphore_mem>>)
    %dma_start3A_41 = arith.constant 0 : i32
    %dma_start3A_42 = arith.constant 0 : i32
    %dma_start3A_43 = arith.constant 0 : i32
    %dma_start3A_44 = arith.constant 0 : i32
    %dma_start3A_45 = tpu.memref_slice %arg7[%dma_start3A_41, %dma_start3A_43, %dma_start3A_44] : memref<3x128x128xf32, #tpu.memory_space<vmem>> -> memref<1x128x128xf32, #tpu.memory_space<vmem>>
    %dma_start3A_46 = tpu.memref_squeeze %dma_start3A_45 : memref<1x128x128xf32, #tpu.memory_space<vmem>> -> memref<128x128xf32, #tpu.memory_space<vmem>>
    %dma_start3A_47 = arith.constant 0 : i32
    %dma_start3A_48 = tpu.memref_slice %arg2[%mul3A_29, %dma_start3A_47] : memref<320000x128xf32, #tpu.memory_space<hbm>> -> memref<128x128xf32, #tpu.memory_space<hbm>>
    %dma_start3A_49 = tpu.memref_slice %arg8[%dma_start3A_42] : memref<3x!tpu.dma_semaphore, #tpu.memory_space<semaphore_mem>> -> memref<1x!tpu.dma_semaphore, #tpu.memory_space<semaphore_mem>>
    %dma_start3A_50 = tpu.memref_squeeze %dma_start3A_49 : memref<1x!tpu.dma_semaphore, #tpu.memory_space<semaphore_mem>> -> memref<!tpu.dma_semaphore, #tpu.memory_space<semaphore_mem>>
    %dma_start3A_51 = arith.constant 0 : i32
    %dma_start3A_52 = arith.constant 0 : i32
    %dma_start3A_53 = tpu.memref_slice %arg7[%dma_start3A_41, %dma_start3A_51, %dma_start3A_52] : memref<3x128x128xf32, #tpu.memory_space<vmem>> -> memref<1x128x128xf32, #tpu.memory_space<vmem>>
    %dma_start3A_54 = tpu.memref_squeeze %dma_start3A_53 : memref<1x128x128xf32, #tpu.memory_space<vmem>> -> memref<128x128xf32, #tpu.memory_space<vmem>>
    %dma_start3A_55 = arith.constant 0 : i32
    %dma_start3A_56 = tpu.memref_slice %arg2[%mul3A_29, %dma_start3A_55] : memref<320000x128xf32, #tpu.memory_space<hbm>> -> memref<128x128xf32, #tpu.memory_space<hbm>>
    tpu.enqueue_dma source(%dma_start3A_56 : memref<128x128xf32, #tpu.memory_space<hbm>>) target(%dma_start3A_54 : memref<128x128xf32, #tpu.memory_space<vmem>>) target_semaphore(%dma_start3A_50 : memref<!tpu.dma_semaphore, #tpu.memory_space<semaphore_mem>>)
    %add3A_57 = arith.constant 32 : i32
    %add3A_58 = arith.addi %add3A, %add3A_57 : i32
    %mul3A_59 = arith.constant 128 : i32
    %mul3A_60 = arith.muli %add3A_58, %mul3A_59 : i32
    %dma_start3A_61 = arith.constant 1 : i32
    %dma_start3A_62 = arith.constant 1 : i32
    %dma_start3A_63 = arith.constant 0 : i32
    %dma_start3A_64 = tpu.memref_slice %arg6[%dma_start3A_61, %dma_start3A_63] : memref<3x128xi32, #tpu.memory_space<vmem>> -> memref<1x128xi32, #tpu.memory_space<vmem>>
    %dma_start3A_65 = tpu.memref_squeeze %dma_start3A_64 : memref<1x128xi32, #tpu.memory_space<vmem>> -> memref<128xi32, #tpu.memory_space<vmem>>
    %dma_start3A_66 = tpu.memref_slice %arg3[%mul3A_60] : memref<320000xi32, #tpu.memory_space<hbm>> -> memref<128xi32, #tpu.memory_space<hbm>>
    %dma_start3A_67 = tpu.memref_slice %arg8[%dma_start3A_62] : memref<3x!tpu.dma_semaphore, #tpu.memory_space<semaphore_mem>> -> memref<1x!tpu.dma_semaphore, #tpu.memory_space<semaphore_mem>>
    %dma_start3A_68 = tpu.memref_squeeze %dma_start3A_67 : memref<1x!tpu.dma_semaphore, #tpu.memory_space<semaphore_mem>> -> memref<!tpu.dma_semaphore, #tpu.memory_space<semaphore_mem>>
    %dma_start3A_69 = arith.constant 0 : i32
    %dma_start3A_70 = tpu.memref_slice %arg6[%dma_start3A_61, %dma_start3A_69] : memref<3x128xi32, #tpu.memory_space<vmem>> -> memref<1x128xi32, #tpu.memory_space<vmem>>
    %dma_start3A_71 = tpu.memref_squeeze %dma_start3A_70 : memref<1x128xi32, #tpu.memory_space<vmem>> -> memref<128xi32, #tpu.memory_space<vmem>>
    %dma_start3A_72 = tpu.memref_slice %arg3[%mul3A_60] : memref<320000xi32, #tpu.memory_space<hbm>> -> memref<128xi32, #tpu.memory_space<hbm>>
    tpu.enqueue_dma source(%dma_start3A_72 : memref<128xi32, #tpu.memory_space<hbm>>) target(%dma_start3A_71 : memref<128xi32, #tpu.memory_space<vmem>>) target_semaphore(%dma_start3A_68 : memref<!tpu.dma_semaphore, #tpu.memory_space<semaphore_mem>>)
    %dma_start3A_73 = arith.constant 1 : i32
    %dma_start3A_74 = arith.constant 1 : i32
    %dma_start3A_75 = arith.constant 0 : i32
    %dma_start3A_76 = arith.constant 0 : i32
    %dma_start3A_77 = tpu.memref_slice %arg7[%dma_start3A_73, %dma_start3A_75, %dma_start3A_76] : memref<3x128x128xf32, #tpu.memory_space<vmem>> -> memref<1x128x128xf32, #tpu.memory_space<vmem>>
    %dma_start3A_78 = tpu.memref_squeeze %dma_start3A_77 : memref<1x128x128xf32, #tpu.memory_space<vmem>> -> memref<128x128xf32, #tpu.memory_space<vmem>>
    %dma_start3A_79 = arith.constant 0 : i32
    %dma_start3A_80 = tpu.memref_slice %arg2[%mul3A_60, %dma_start3A_79] : memref<320000x128xf32, #tpu.memory_space<hbm>> -> memref<128x128xf32, #tpu.memory_space<hbm>>
    %dma_start3A_81 = tpu.memref_slice %arg8[%dma_start3A_74] : memref<3x!tpu.dma_semaphore, #tpu.memory_space<semaphore_mem>> -> memref<1x!tpu.dma_semaphore, #tpu.memory_space<semaphore_mem>>
    %dma_start3A_82 = tpu.memref_squeeze %dma_start3A_81 : memref<1x!tpu.dma_semaphore, #tpu.memory_space<semaphore_mem>> -> memref<!tpu.dma_semaphore, #tpu.memory_space<semaphore_mem>>
    %dma_start3A_83 = arith.constant 0 : i32
    %dma_start3A_84 = arith.constant 0 : i32
    %dma_start3A_85 = tpu.memref_slice %arg7[%dma_start3A_73, %dma_start3A_83, %dma_start3A_84] : memref<3x128x128xf32, #tpu.memory_space<vmem>> -> memref<1x128x128xf32, #tpu.memory_space<vmem>>
    %dma_start3A_86 = tpu.memref_squeeze %dma_start3A_85 : memref<1x128x128xf32, #tpu.memory_space<vmem>> -> memref<128x128xf32, #tpu.memory_space<vmem>>
    %dma_start3A_87 = arith.constant 0 : i32
    %dma_start3A_88 = tpu.memref_slice %arg2[%mul3A_60, %dma_start3A_87] : memref<320000x128xf32, #tpu.memory_space<hbm>> -> memref<128x128xf32, #tpu.memory_space<hbm>>
    tpu.enqueue_dma source(%dma_start3A_88 : memref<128x128xf32, #tpu.memory_space<hbm>>) target(%dma_start3A_86 : memref<128x128xf32, #tpu.memory_space<vmem>>) target_semaphore(%dma_start3A_82 : memref<!tpu.dma_semaphore, #tpu.memory_space<semaphore_mem>>)
    %add3A_89 = arith.constant 64 : i32
    %add3A_90 = arith.addi %add3A, %add3A_89 : i32
    %mul3A_91 = arith.constant 128 : i32
    %mul3A_92 = arith.muli %add3A_90, %mul3A_91 : i32
    %dma_start3A_93 = arith.constant 2 : i32
    %dma_start3A_94 = arith.constant 2 : i32
    %dma_start3A_95 = arith.constant 0 : i32
    %dma_start3A_96 = tpu.memref_slice %arg6[%dma_start3A_93, %dma_start3A_95] : memref<3x128xi32, #tpu.memory_space<vmem>> -> memref<1x128xi32, #tpu.memory_space<vmem>>
    %dma_start3A_97 = tpu.memref_squeeze %dma_start3A_96 : memref<1x128xi32, #tpu.memory_space<vmem>> -> memref<128xi32, #tpu.memory_space<vmem>>
    %dma_start3A_98 = tpu.memref_slice %arg3[%mul3A_92] : memref<320000xi32, #tpu.memory_space<hbm>> -> memref<128xi32, #tpu.memory_space<hbm>>
    %dma_start3A_99 = tpu.memref_slice %arg8[%dma_start3A_94] : memref<3x!tpu.dma_semaphore, #tpu.memory_space<semaphore_mem>> -> memref<1x!tpu.dma_semaphore, #tpu.memory_space<semaphore_mem>>
    %dma_start3A_100 = tpu.memref_squeeze %dma_start3A_99 : memref<1x!tpu.dma_semaphore, #tpu.memory_space<semaphore_mem>> -> memref<!tpu.dma_semaphore, #tpu.memory_space<semaphore_mem>>
    %dma_start3A_101 = arith.constant 0 : i32
    %dma_start3A_102 = tpu.memref_slice %arg6[%dma_start3A_93, %dma_start3A_101] : memref<3x128xi32, #tpu.memory_space<vmem>> -> memref<1x128xi32, #tpu.memory_space<vmem>>
    %dma_start3A_103 = tpu.memref_squeeze %dma_start3A_102 : memref<1x128xi32, #tpu.memory_space<vmem>> -> memref<128xi32, #tpu.memory_space<vmem>>
    %dma_start3A_104 = tpu.memref_slice %arg3[%mul3A_92] : memref<320000xi32, #tpu.memory_space<hbm>> -> memref<128xi32, #tpu.memory_space<hbm>>
    tpu.enqueue_dma source(%dma_start3A_104 : memref<128xi32, #tpu.memory_space<hbm>>) target(%dma_start3A_103 : memref<128xi32, #tpu.memory_space<vmem>>) target_semaphore(%dma_start3A_100 : memref<!tpu.dma_semaphore, #tpu.memory_space<semaphore_mem>>)
    %dma_start3A_105 = arith.constant 2 : i32
    %dma_start3A_106 = arith.constant 2 : i32
    %dma_start3A_107 = arith.constant 0 : i32
    %dma_start3A_108 = arith.constant 0 : i32
    %dma_start3A_109 = tpu.memref_slice %arg7[%dma_start3A_105, %dma_start3A_107, %dma_start3A_108] : memref<3x128x128xf32, #tpu.memory_space<vmem>> -> memref<1x128x128xf32, #tpu.memory_space<vmem>>
    %dma_start3A_110 = tpu.memref_squeeze %dma_start3A_109 : memref<1x128x128xf32, #tpu.memory_space<vmem>> -> memref<128x128xf32, #tpu.memory_space<vmem>>
    %dma_start3A_111 = arith.constant 0 : i32
    %dma_start3A_112 = tpu.memref_slice %arg2[%mul3A_92, %dma_start3A_111] : memref<320000x128xf32, #tpu.memory_space<hbm>> -> memref<128x128xf32, #tpu.memory_space<hbm>>
    %dma_start3A_113 = tpu.memref_slice %arg8[%dma_start3A_106] : memref<3x!tpu.dma_semaphore, #tpu.memory_space<semaphore_mem>> -> memref<1x!tpu.dma_semaphore, #tpu.memory_space<semaphore_mem>>
    %dma_start3A_114 = tpu.memref_squeeze %dma_start3A_113 : memref<1x!tpu.dma_semaphore, #tpu.memory_space<semaphore_mem>> -> memref<!tpu.dma_semaphore, #tpu.memory_space<semaphore_mem>>
    %dma_start3A_115 = arith.constant 0 : i32
    %dma_start3A_116 = arith.constant 0 : i32
    %dma_start3A_117 = tpu.memref_slice %arg7[%dma_start3A_105, %dma_start3A_115, %dma_start3A_116] : memref<3x128x128xf32, #tpu.memory_space<vmem>> -> memref<1x128x128xf32, #tpu.memory_space<vmem>>
    %dma_start3A_118 = tpu.memref_squeeze %dma_start3A_117 : memref<1x128x128xf32, #tpu.memory_space<vmem>> -> memref<128x128xf32, #tpu.memory_space<vmem>>
    %dma_start3A_119 = arith.constant 0 : i32
    %dma_start3A_120 = tpu.memref_slice %arg2[%mul3A_92, %dma_start3A_119] : memref<320000x128xf32, #tpu.memory_space<hbm>> -> memref<128x128xf32, #tpu.memory_space<hbm>>
    tpu.enqueue_dma source(%dma_start3A_120 : memref<128x128xf32, #tpu.memory_space<hbm>>) target(%dma_start3A_118 : memref<128x128xf32, #tpu.memory_space<vmem>>) target_semaphore(%dma_start3A_114 : memref<!tpu.dma_semaphore, #tpu.memory_space<semaphore_mem>>)
    %dma_wait3A = arith.constant 0 : i32
    %dma_wait3A_121 = arith.constant 0 : i32
    %dma_wait3A_122 = arith.constant 0 : i32
    %dma_wait3A_123 = tpu.memref_slice %arg6[%dma_wait3A, %dma_wait3A_122] : memref<3x128xi32, #tpu.memory_space<vmem>> -> memref<1x128xi32, #tpu.memory_space<vmem>>
    %dma_wait3A_124 = tpu.memref_squeeze %dma_wait3A_123 : memref<1x128xi32, #tpu.memory_space<vmem>> -> memref<128xi32, #tpu.memory_space<vmem>>
    %dma_wait3A_125 = arith.constant 0 : i32
    %dma_wait3A_126 = tpu.memref_slice %arg3[%dma_wait3A_125] : memref<320000xi32, #tpu.memory_space<hbm>> -> memref<128xi32, #tpu.memory_space<hbm>>
    %dma_wait3A_127 = tpu.memref_slice %arg8[%dma_wait3A_121] : memref<3x!tpu.dma_semaphore, #tpu.memory_space<semaphore_mem>> -> memref<1x!tpu.dma_semaphore, #tpu.memory_space<semaphore_mem>>
    %dma_wait3A_128 = tpu.memref_squeeze %dma_wait3A_127 : memref<1x!tpu.dma_semaphore, #tpu.memory_space<semaphore_mem>> -> memref<!tpu.dma_semaphore, #tpu.memory_space<semaphore_mem>>
    %dma_wait3A_129 = arith.constant 0 : i32
    %dma_wait3A_130 = tpu.memref_slice %arg6[%dma_wait3A, %dma_wait3A_129] : memref<3x128xi32, #tpu.memory_space<vmem>> -> memref<1x128xi32, #tpu.memory_space<vmem>>
    %dma_wait3A_131 = tpu.memref_squeeze %dma_wait3A_130 : memref<1x128xi32, #tpu.memory_space<vmem>> -> memref<128xi32, #tpu.memory_space<vmem>>
    %dma_wait3A_132 = arith.constant 0 : i32
    %dma_wait3A_133 = tpu.memref_slice %arg3[%dma_wait3A_132] : memref<320000xi32, #tpu.memory_space<hbm>> -> memref<128xi32, #tpu.memory_space<hbm>>
    tpu.wait_dma2 semaphore(%dma_wait3A_128 : memref<!tpu.dma_semaphore, #tpu.memory_space<semaphore_mem>>) src(%dma_wait3A_133 : memref<128xi32, #tpu.memory_space<hbm>>) dst(%dma_wait3A_131 : memref<128xi32, #tpu.memory_space<vmem>>)
    %dma_wait3A_134 = arith.constant 0 : i32
    %dma_wait3A_135 = arith.constant 0 : i32
    %dma_wait3A_136 = arith.constant 0 : i32
    %dma_wait3A_137 = arith.constant 0 : i32
    %dma_wait3A_138 = tpu.memref_slice %arg7[%dma_wait3A_134, %dma_wait3A_136, %dma_wait3A_137] : memref<3x128x128xf32, #tpu.memory_space<vmem>> -> memref<1x128x128xf32, #tpu.memory_space<vmem>>
    %dma_wait3A_139 = tpu.memref_squeeze %dma_wait3A_138 : memref<1x128x128xf32, #tpu.memory_space<vmem>> -> memref<128x128xf32, #tpu.memory_space<vmem>>
    %dma_wait3A_140 = arith.constant 0 : i32
    %dma_wait3A_141 = arith.constant 0 : i32
    %dma_wait3A_142 = tpu.memref_slice %arg2[%dma_wait3A_140, %dma_wait3A_141] : memref<320000x128xf32, #tpu.memory_space<hbm>> -> memref<128x128xf32, #tpu.memory_space<hbm>>
    %dma_wait3A_143 = tpu.memref_slice %arg8[%dma_wait3A_135] : memref<3x!tpu.dma_semaphore, #tpu.memory_space<semaphore_mem>> -> memref<1x!tpu.dma_semaphore, #tpu.memory_space<semaphore_mem>>
    %dma_wait3A_144 = tpu.memref_squeeze %dma_wait3A_143 : memref<1x!tpu.dma_semaphore, #tpu.memory_space<semaphore_mem>> -> memref<!tpu.dma_semaphore, #tpu.memory_space<semaphore_mem>>
    %dma_wait3A_145 = arith.constant 0 : i32
    %dma_wait3A_146 = arith.constant 0 : i32
    %dma_wait3A_147 = tpu.memref_slice %arg7[%dma_wait3A_134, %dma_wait3A_145, %dma_wait3A_146] : memref<3x128x128xf32, #tpu.memory_space<vmem>> -> memref<1x128x128xf32, #tpu.memory_space<vmem>>
    %dma_wait3A_148 = tpu.memref_squeeze %dma_wait3A_147 : memref<1x128x128xf32, #tpu.memory_space<vmem>> -> memref<128x128xf32, #tpu.memory_space<vmem>>
    %dma_wait3A_149 = arith.constant 0 : i32
    %dma_wait3A_150 = arith.constant 0 : i32
    %dma_wait3A_151 = tpu.memref_slice %arg2[%dma_wait3A_149, %dma_wait3A_150] : memref<320000x128xf32, #tpu.memory_space<hbm>> -> memref<128x128xf32, #tpu.memory_space<hbm>>
    tpu.wait_dma2 semaphore(%dma_wait3A_144 : memref<!tpu.dma_semaphore, #tpu.memory_space<semaphore_mem>>) src(%dma_wait3A_151 : memref<128x128xf32, #tpu.memory_space<hbm>>) dst(%dma_wait3A_148 : memref<128x128xf32, #tpu.memory_space<vmem>>)
    %dma_start3A_152 = arith.constant 0 : i32
    %dma_start3A_153 = arith.constant 0 : i32
    %dma_start3A_154 = arith.constant 0 : i32
    %dma_start3A_155 = arith.constant 0 : i32
    %dma_start3A_156 = arith.constant 0 : i32
    %dma_start3A_157 = tpu.memref_slice %arg7[%dma_start3A_152, %dma_start3A_155, %dma_start3A_156] : memref<3x128x128xf32, #tpu.memory_space<vmem>> -> memref<1x128x128xf32, #tpu.memory_space<vmem>>
    %dma_start3A_158 = tpu.memref_squeeze %dma_start3A_157 : memref<1x128x128xf32, #tpu.memory_space<vmem>> -> memref<128x128xf32, #tpu.memory_space<vmem>>
    %dma_start3A_159 = arith.constant 0 : i32
    %dma_start3A_160 = tpu.memref_slice %arg6[%dma_start3A_153, %dma_start3A_159] : memref<3x128xi32, #tpu.memory_space<vmem>> -> memref<1x128xi32, #tpu.memory_space<vmem>>
    %dma_start3A_161 = tpu.memref_squeeze %dma_start3A_160 : memref<1x128xi32, #tpu.memory_space<vmem>> -> memref<128xi32, #tpu.memory_space<vmem>>
    %dma_start3A_162 = arith.constant 0 : i32
    %dma_start3A_163 = arith.constant 0 : i32
    %dma_start3A_164 = tpu.memref_slice %arg5[%dma_start3A_162, %dma_start3A_163] : memref<10000x128xf32, #tpu.memory_space<vmem_shared>> -> memref<10000x128xf32, #tpu.memory_space<vmem_shared>>
    %dma_start3A_165 = tpu.memref_slice %arg9[%dma_start3A_154] : memref<3x!tpu.dma_semaphore, #tpu.memory_space<semaphore_mem>> -> memref<1x!tpu.dma_semaphore, #tpu.memory_space<semaphore_mem>>
    %dma_start3A_166 = tpu.memref_squeeze %dma_start3A_165 : memref<1x!tpu.dma_semaphore, #tpu.memory_space<semaphore_mem>> -> memref<!tpu.dma_semaphore, #tpu.memory_space<semaphore_mem>>
    tpu.enqueue_indirect_dma source(%dma_start3A_158 : memref<128x128xf32, #tpu.memory_space<vmem>>) target(%dma_start3A_164 : memref<10000x128xf32, #tpu.memory_space<vmem_shared>>) offsets(%dma_start3A_161 : memref<128xi32, #tpu.memory_space<vmem>>) semaphore(%dma_start3A_166 : memref<!tpu.dma_semaphore, #tpu.memory_space<semaphore_mem>>) {add = true}
    %scan3A_167 = arith.constant 0 : i32
    %scan3A_168 = arith.constant 0 : i32
    %scan3A_169 = arith.constant 25 : i32
    %scan3A_170 = arith.addi %scan3A_168, %scan3A_169 : i32
    %scan3A_171 = arith.constant 1 : i32
    %scan3A_172 = scf.for %scan3A_328 = %scan3A_168 to %scan3A_170 step %scan3A_171 iter_args(%scan3A_329 = %scan3A_167) -> (i32)  : i32 {
      %mul3A_330 = arith.constant 3 : i32
      %mul3A_331 = arith.muli %scan3A_328, %mul3A_330 : i32
      %add3A_332 = arith.constant 1 : i32
      %add3A_333 = arith.addi %add3A_332, %mul3A_331 : i32
      %add3A_334 = arith.constant 0 : i32
      %add3A_335 = arith.addi %add3A_333, %add3A_334 : i32
      %dma_wait3A_336 = arith.constant 0 : i32
      %dma_wait3A_337 = arith.constant 0 : i32
      %dma_wait3A_338 = arith.constant 0 : i32
      %dma_wait3A_339 = arith.constant 0 : i32
      %dma_wait3A_340 = arith.constant 0 : i32
      %dma_wait3A_341 = tpu.memref_slice %arg7[%dma_wait3A_336, %dma_wait3A_339, %dma_wait3A_340] : memref<3x128x128xf32, #tpu.memory_space<vmem>> -> memref<1x128x128xf32, #tpu.memory_space<vmem>>
      %dma_wait3A_342 = tpu.memref_squeeze %dma_wait3A_341 : memref<1x128x128xf32, #tpu.memory_space<vmem>> -> memref<128x128xf32, #tpu.memory_space<vmem>>
      %dma_wait3A_343 = arith.constant 0 : i32
      %dma_wait3A_344 = tpu.memref_slice %arg6[%dma_wait3A_337, %dma_wait3A_343] : memref<3x128xi32, #tpu.memory_space<vmem>> -> memref<1x128xi32, #tpu.memory_space<vmem>>
      %dma_wait3A_345 = tpu.memref_squeeze %dma_wait3A_344 : memref<1x128xi32, #tpu.memory_space<vmem>> -> memref<128xi32, #tpu.memory_space<vmem>>
      %dma_wait3A_346 = arith.constant 0 : i32
      %dma_wait3A_347 = arith.constant 0 : i32
      %dma_wait3A_348 = tpu.memref_slice %arg5[%dma_wait3A_346, %dma_wait3A_347] : memref<10000x128xf32, #tpu.memory_space<vmem_shared>> -> memref<10000x128xf32, #tpu.memory_space<vmem_shared>>
      %dma_wait3A_349 = tpu.memref_slice %arg9[%dma_wait3A_338] : memref<3x!tpu.dma_semaphore, #tpu.memory_space<semaphore_mem>> -> memref<1x!tpu.dma_semaphore, #tpu.memory_space<semaphore_mem>>
      %dma_wait3A_350 = tpu.memref_squeeze %dma_wait3A_349 : memref<1x!tpu.dma_semaphore, #tpu.memory_space<semaphore_mem>> -> memref<!tpu.dma_semaphore, #tpu.memory_space<semaphore_mem>>
      tpu.wait_indirect_dma semaphore(%dma_wait3A_350 : memref<!tpu.dma_semaphore, #tpu.memory_space<semaphore_mem>>) src(%dma_wait3A_342 : memref<128x128xf32, #tpu.memory_space<vmem>>) dst(%dma_wait3A_348 : memref<10000x128xf32, #tpu.memory_space<vmem_shared>>)
      %add3A_351 = arith.constant 2 : i32
      %add3A_352 = arith.addi %add3A_335, %add3A_351 : i32
      %mul3A_353 = arith.constant 32 : i32
      %mul3A_354 = arith.muli %add3A_352, %mul3A_353 : i32
      %add3A_355 = arith.addi %add3A, %mul3A_354 : i32
      %mul3A_356 = arith.constant 128 : i32
      %mul3A_357 = arith.muli %add3A_355, %mul3A_356 : i32
      %dma_start3A_358 = arith.constant 0 : i32
      %dma_start3A_359 = arith.constant 0 : i32
      %dma_start3A_360 = arith.constant 0 : i32
      %dma_start3A_361 = tpu.memref_slice %arg6[%dma_start3A_358, %dma_start3A_360] : memref<3x128xi32, #tpu.memory_space<vmem>> -> memref<1x128xi32, #tpu.memory_space<vmem>>
      %dma_start3A_362 = tpu.memref_squeeze %dma_start3A_361 : memref<1x128xi32, #tpu.memory_space<vmem>> -> memref<128xi32, #tpu.memory_space<vmem>>
      %dma_start3A_363 = tpu.memref_slice %arg3[%mul3A_357] : memref<320000xi32, #tpu.memory_space<hbm>> -> memref<128xi32, #tpu.memory_space<hbm>>
      %dma_start3A_364 = tpu.memref_slice %arg8[%dma_start3A_359] : memref<3x!tpu.dma_semaphore, #tpu.memory_space<semaphore_mem>> -> memref<1x!tpu.dma_semaphore, #tpu.memory_space<semaphore_mem>>
      %dma_start3A_365 = tpu.memref_squeeze %dma_start3A_364 : memref<1x!tpu.dma_semaphore, #tpu.memory_space<semaphore_mem>> -> memref<!tpu.dma_semaphore, #tpu.memory_space<semaphore_mem>>
      %dma_start3A_366 = arith.constant 0 : i32
      %dma_start3A_367 = tpu.memref_slice %arg6[%dma_start3A_358, %dma_start3A_366] : memref<3x128xi32, #tpu.memory_space<vmem>> -> memref<1x128xi32, #tpu.memory_space<vmem>>
      %dma_start3A_368 = tpu.memref_squeeze %dma_start3A_367 : memref<1x128xi32, #tpu.memory_space<vmem>> -> memref<128xi32, #tpu.memory_space<vmem>>
      %dma_start3A_369 = tpu.memref_slice %arg3[%mul3A_357] : memref<320000xi32, #tpu.memory_space<hbm>> -> memref<128xi32, #tpu.memory_space<hbm>>
      tpu.enqueue_dma source(%dma_start3A_369 : memref<128xi32, #tpu.memory_space<hbm>>) target(%dma_start3A_368 : memref<128xi32, #tpu.memory_space<vmem>>) target_semaphore(%dma_start3A_365 : memref<!tpu.dma_semaphore, #tpu.memory_space<semaphore_mem>>)
      %dma_start3A_370 = arith.constant 0 : i32
      %dma_start3A_371 = arith.constant 0 : i32
      %dma_start3A_372 = arith.constant 0 : i32
      %dma_start3A_373 = arith.constant 0 : i32
      %dma_start3A_374 = tpu.memref_slice %arg7[%dma_start3A_370, %dma_start3A_372, %dma_start3A_373] : memref<3x128x128xf32, #tpu.memory_space<vmem>> -> memref<1x128x128xf32, #tpu.memory_space<vmem>>
      %dma_start3A_375 = tpu.memref_squeeze %dma_start3A_374 : memref<1x128x128xf32, #tpu.memory_space<vmem>> -> memref<128x128xf32, #tpu.memory_space<vmem>>
      %dma_start3A_376 = arith.constant 0 : i32
      %dma_start3A_377 = tpu.memref_slice %arg2[%mul3A_357, %dma_start3A_376] : memref<320000x128xf32, #tpu.memory_space<hbm>> -> memref<128x128xf32, #tpu.memory_space<hbm>>
      %dma_start3A_378 = tpu.memref_slice %arg8[%dma_start3A_371] : memref<3x!tpu.dma_semaphore, #tpu.memory_space<semaphore_mem>> -> memref<1x!tpu.dma_semaphore, #tpu.memory_space<semaphore_mem>>
      %dma_start3A_379 = tpu.memref_squeeze %dma_start3A_378 : memref<1x!tpu.dma_semaphore, #tpu.memory_space<semaphore_mem>> -> memref<!tpu.dma_semaphore, #tpu.memory_space<semaphore_mem>>
      %dma_start3A_380 = arith.constant 0 : i32
      %dma_start3A_381 = arith.constant 0 : i32
      %dma_start3A_382 = tpu.memref_slice %arg7[%dma_start3A_370, %dma_start3A_380, %dma_start3A_381] : memref<3x128x128xf32, #tpu.memory_space<vmem>> -> memref<1x128x128xf32, #tpu.memory_space<vmem>>
      %dma_start3A_383 = tpu.memref_squeeze %dma_start3A_382 : memref<1x128x128xf32, #tpu.memory_space<vmem>> -> memref<128x128xf32, #tpu.memory_space<vmem>>
      %dma_start3A_384 = arith.constant 0 : i32
      %dma_start3A_385 = tpu.memref_slice %arg2[%mul3A_357, %dma_start3A_384] : memref<320000x128xf32, #tpu.memory_space<hbm>> -> memref<128x128xf32, #tpu.memory_space<hbm>>
      tpu.enqueue_dma source(%dma_start3A_385 : memref<128x128xf32, #tpu.memory_space<hbm>>) target(%dma_start3A_383 : memref<128x128xf32, #tpu.memory_space<vmem>>) target_semaphore(%dma_start3A_379 : memref<!tpu.dma_semaphore, #tpu.memory_space<semaphore_mem>>)
      %dma_wait3A_386 = arith.constant 1 : i32
      %dma_wait3A_387 = arith.constant 1 : i32
      %dma_wait3A_388 = arith.constant 0 : i32
      %dma_wait3A_389 = tpu.memref_slice %arg6[%dma_wait3A_386, %dma_wait3A_388] : memref<3x128xi32, #tpu.memory_space<vmem>> -> memref<1x128xi32, #tpu.memory_space<vmem>>
      %dma_wait3A_390 = tpu.memref_squeeze %dma_wait3A_389 : memref<1x128xi32, #tpu.memory_space<vmem>> -> memref<128xi32, #tpu.memory_space<vmem>>
      %dma_wait3A_391 = arith.constant 0 : i32
      %dma_wait3A_392 = tpu.memref_slice %arg3[%dma_wait3A_391] : memref<320000xi32, #tpu.memory_space<hbm>> -> memref<128xi32, #tpu.memory_space<hbm>>
      %dma_wait3A_393 = tpu.memref_slice %arg8[%dma_wait3A_387] : memref<3x!tpu.dma_semaphore, #tpu.memory_space<semaphore_mem>> -> memref<1x!tpu.dma_semaphore, #tpu.memory_space<semaphore_mem>>
      %dma_wait3A_394 = tpu.memref_squeeze %dma_wait3A_393 : memref<1x!tpu.dma_semaphore, #tpu.memory_space<semaphore_mem>> -> memref<!tpu.dma_semaphore, #tpu.memory_space<semaphore_mem>>
      %dma_wait3A_395 = arith.constant 0 : i32
      %dma_wait3A_396 = tpu.memref_slice %arg6[%dma_wait3A_386, %dma_wait3A_395] : memref<3x128xi32, #tpu.memory_space<vmem>> -> memref<1x128xi32, #tpu.memory_space<vmem>>
      %dma_wait3A_397 = tpu.memref_squeeze %dma_wait3A_396 : memref<1x128xi32, #tpu.memory_space<vmem>> -> memref<128xi32, #tpu.memory_space<vmem>>
      %dma_wait3A_398 = arith.constant 0 : i32
      %dma_wait3A_399 = tpu.memref_slice %arg3[%dma_wait3A_398] : memref<320000xi32, #tpu.memory_space<hbm>> -> memref<128xi32, #tpu.memory_space<hbm>>
      tpu.wait_dma2 semaphore(%dma_wait3A_394 : memref<!tpu.dma_semaphore, #tpu.memory_space<semaphore_mem>>) src(%dma_wait3A_399 : memref<128xi32, #tpu.memory_space<hbm>>) dst(%dma_wait3A_397 : memref<128xi32, #tpu.memory_space<vmem>>)
      %dma_wait3A_400 = arith.constant 1 : i32
      %dma_wait3A_401 = arith.constant 1 : i32
      %dma_wait3A_402 = arith.constant 0 : i32
      %dma_wait3A_403 = arith.constant 0 : i32
      %dma_wait3A_404 = tpu.memref_slice %arg7[%dma_wait3A_400, %dma_wait3A_402, %dma_wait3A_403] : memref<3x128x128xf32, #tpu.memory_space<vmem>> -> memref<1x128x128xf32, #tpu.memory_space<vmem>>
      %dma_wait3A_405 = tpu.memref_squeeze %dma_wait3A_404 : memref<1x128x128xf32, #tpu.memory_space<vmem>> -> memref<128x128xf32, #tpu.memory_space<vmem>>
      %dma_wait3A_406 = arith.constant 0 : i32
      %dma_wait3A_407 = arith.constant 0 : i32
      %dma_wait3A_408 = tpu.memref_slice %arg2[%dma_wait3A_406, %dma_wait3A_407] : memref<320000x128xf32, #tpu.memory_space<hbm>> -> memref<128x128xf32, #tpu.memory_space<hbm>>
      %dma_wait3A_409 = tpu.memref_slice %arg8[%dma_wait3A_401] : memref<3x!tpu.dma_semaphore, #tpu.memory_space<semaphore_mem>> -> memref<1x!tpu.dma_semaphore, #tpu.memory_space<semaphore_mem>>
      %dma_wait3A_410 = tpu.memref_squeeze %dma_wait3A_409 : memref<1x!tpu.dma_semaphore, #tpu.memory_space<semaphore_mem>> -> memref<!tpu.dma_semaphore, #tpu.memory_space<semaphore_mem>>
      %dma_wait3A_411 = arith.constant 0 : i32
      %dma_wait3A_412 = arith.constant 0 : i32
      %dma_wait3A_413 = tpu.memref_slice %arg7[%dma_wait3A_400, %dma_wait3A_411, %dma_wait3A_412] : memref<3x128x128xf32, #tpu.memory_space<vmem>> -> memref<1x128x128xf32, #tpu.memory_space<vmem>>
      %dma_wait3A_414 = tpu.memref_squeeze %dma_wait3A_413 : memref<1x128x128xf32, #tpu.memory_space<vmem>> -> memref<128x128xf32, #tpu.memory_space<vmem>>
      %dma_wait3A_415 = arith.constant 0 : i32
      %dma_wait3A_416 = arith.constant 0 : i32
      %dma_wait3A_417 = tpu.memref_slice %arg2[%dma_wait3A_415, %dma_wait3A_416] : memref<320000x128xf32, #tpu.memory_space<hbm>> -> memref<128x128xf32, #tpu.memory_space<hbm>>
      tpu.wait_dma2 semaphore(%dma_wait3A_410 : memref<!tpu.dma_semaphore, #tpu.memory_space<semaphore_mem>>) src(%dma_wait3A_417 : memref<128x128xf32, #tpu.memory_space<hbm>>) dst(%dma_wait3A_414 : memref<128x128xf32, #tpu.memory_space<vmem>>)
      %dma_start3A_418 = arith.constant 1 : i32
      %dma_start3A_419 = arith.constant 1 : i32
      %dma_start3A_420 = arith.constant 1 : i32
      %dma_start3A_421 = arith.constant 0 : i32
      %dma_start3A_422 = arith.constant 0 : i32
      %dma_start3A_423 = tpu.memref_slice %arg7[%dma_start3A_418, %dma_start3A_421, %dma_start3A_422] : memref<3x128x128xf32, #tpu.memory_space<vmem>> -> memref<1x128x128xf32, #tpu.memory_space<vmem>>
      %dma_start3A_424 = tpu.memref_squeeze %dma_start3A_423 : memref<1x128x128xf32, #tpu.memory_space<vmem>> -> memref<128x128xf32, #tpu.memory_space<vmem>>
      %dma_start3A_425 = arith.constant 0 : i32
      %dma_start3A_426 = tpu.memref_slice %arg6[%dma_start3A_419, %dma_start3A_425] : memref<3x128xi32, #tpu.memory_space<vmem>> -> memref<1x128xi32, #tpu.memory_space<vmem>>
      %dma_start3A_427 = tpu.memref_squeeze %dma_start3A_426 : memref<1x128xi32, #tpu.memory_space<vmem>> -> memref<128xi32, #tpu.memory_space<vmem>>
      %dma_start3A_428 = arith.constant 0 : i32
      %dma_start3A_429 = arith.constant 0 : i32
      %dma_start3A_430 = tpu.memref_slice %arg5[%dma_start3A_428, %dma_start3A_429] : memref<10000x128xf32, #tpu.memory_space<vmem_shared>> -> memref<10000x128xf32, #tpu.memory_space<vmem_shared>>
      %dma_start3A_431 = tpu.memref_slice %arg9[%dma_start3A_420] : memref<3x!tpu.dma_semaphore, #tpu.memory_space<semaphore_mem>> -> memref<1x!tpu.dma_semaphore, #tpu.memory_space<semaphore_mem>>
      %dma_start3A_432 = tpu.memref_squeeze %dma_start3A_431 : memref<1x!tpu.dma_semaphore, #tpu.memory_space<semaphore_mem>> -> memref<!tpu.dma_semaphore, #tpu.memory_space<semaphore_mem>>
      tpu.enqueue_indirect_dma source(%dma_start3A_424 : memref<128x128xf32, #tpu.memory_space<vmem>>) target(%dma_start3A_430 : memref<10000x128xf32, #tpu.memory_space<vmem_shared>>) offsets(%dma_start3A_427 : memref<128xi32, #tpu.memory_space<vmem>>) semaphore(%dma_start3A_432 : memref<!tpu.dma_semaphore, #tpu.memory_space<semaphore_mem>>) {add = true}
      %mul3A_433 = arith.constant 3 : i32
      %mul3A_434 = arith.muli %scan3A_328, %mul3A_433 : i32
      %add3A_435 = arith.constant 1 : i32
      %add3A_436 = arith.addi %add3A_435, %mul3A_434 : i32
      %add3A_437 = arith.constant 1 : i32
      %add3A_438 = arith.addi %add3A_436, %add3A_437 : i32
      %dma_wait3A_439 = arith.constant 1 : i32
      %dma_wait3A_440 = arith.constant 1 : i32
      %dma_wait3A_441 = arith.constant 1 : i32
      %dma_wait3A_442 = arith.constant 0 : i32
      %dma_wait3A_443 = arith.constant 0 : i32
      %dma_wait3A_444 = tpu.memref_slice %arg7[%dma_wait3A_439, %dma_wait3A_442, %dma_wait3A_443] : memref<3x128x128xf32, #tpu.memory_space<vmem>> -> memref<1x128x128xf32, #tpu.memory_space<vmem>>
      %dma_wait3A_445 = tpu.memref_squeeze %dma_wait3A_444 : memref<1x128x128xf32, #tpu.memory_space<vmem>> -> memref<128x128xf32, #tpu.memory_space<vmem>>
      %dma_wait3A_446 = arith.constant 0 : i32
      %dma_wait3A_447 = tpu.memref_slice %arg6[%dma_wait3A_440, %dma_wait3A_446] : memref<3x128xi32, #tpu.memory_space<vmem>> -> memref<1x128xi32, #tpu.memory_space<vmem>>
      %dma_wait3A_448 = tpu.memref_squeeze %dma_wait3A_447 : memref<1x128xi32, #tpu.memory_space<vmem>> -> memref<128xi32, #tpu.memory_space<vmem>>
      %dma_wait3A_449 = arith.constant 0 : i32
      %dma_wait3A_450 = arith.constant 0 : i32
      %dma_wait3A_451 = tpu.memref_slice %arg5[%dma_wait3A_449, %dma_wait3A_450] : memref<10000x128xf32, #tpu.memory_space<vmem_shared>> -> memref<10000x128xf32, #tpu.memory_space<vmem_shared>>
      %dma_wait3A_452 = tpu.memref_slice %arg9[%dma_wait3A_441] : memref<3x!tpu.dma_semaphore, #tpu.memory_space<semaphore_mem>> -> memref<1x!tpu.dma_semaphore, #tpu.memory_space<semaphore_mem>>
      %dma_wait3A_453 = tpu.memref_squeeze %dma_wait3A_452 : memref<1x!tpu.dma_semaphore, #tpu.memory_space<semaphore_mem>> -> memref<!tpu.dma_semaphore, #tpu.memory_space<semaphore_mem>>
      tpu.wait_indirect_dma semaphore(%dma_wait3A_453 : memref<!tpu.dma_semaphore, #tpu.memory_space<semaphore_mem>>) src(%dma_wait3A_445 : memref<128x128xf32, #tpu.memory_space<vmem>>) dst(%dma_wait3A_451 : memref<10000x128xf32, #tpu.memory_space<vmem_shared>>)
      %add3A_454 = arith.constant 2 : i32
      %add3A_455 = arith.addi %add3A_438, %add3A_454 : i32
      %mul3A_456 = arith.constant 32 : i32
      %mul3A_457 = arith.muli %add3A_455, %mul3A_456 : i32
      %add3A_458 = arith.addi %add3A, %mul3A_457 : i32
      %mul3A_459 = arith.constant 128 : i32
      %mul3A_460 = arith.muli %add3A_458, %mul3A_459 : i32
      %dma_start3A_461 = arith.constant 1 : i32
      %dma_start3A_462 = arith.constant 1 : i32
      %dma_start3A_463 = arith.constant 0 : i32
      %dma_start3A_464 = tpu.memref_slice %arg6[%dma_start3A_461, %dma_start3A_463] : memref<3x128xi32, #tpu.memory_space<vmem>> -> memref<1x128xi32, #tpu.memory_space<vmem>>
      %dma_start3A_465 = tpu.memref_squeeze %dma_start3A_464 : memref<1x128xi32, #tpu.memory_space<vmem>> -> memref<128xi32, #tpu.memory_space<vmem>>
      %dma_start3A_466 = tpu.memref_slice %arg3[%mul3A_460] : memref<320000xi32, #tpu.memory_space<hbm>> -> memref<128xi32, #tpu.memory_space<hbm>>
      %dma_start3A_467 = tpu.memref_slice %arg8[%dma_start3A_462] : memref<3x!tpu.dma_semaphore, #tpu.memory_space<semaphore_mem>> -> memref<1x!tpu.dma_semaphore, #tpu.memory_space<semaphore_mem>>
      %dma_start3A_468 = tpu.memref_squeeze %dma_start3A_467 : memref<1x!tpu.dma_semaphore, #tpu.memory_space<semaphore_mem>> -> memref<!tpu.dma_semaphore, #tpu.memory_space<semaphore_mem>>
      %dma_start3A_469 = arith.constant 0 : i32
      %dma_start3A_470 = tpu.memref_slice %arg6[%dma_start3A_461, %dma_start3A_469] : memref<3x128xi32, #tpu.memory_space<vmem>> -> memref<1x128xi32, #tpu.memory_space<vmem>>
      %dma_start3A_471 = tpu.memref_squeeze %dma_start3A_470 : memref<1x128xi32, #tpu.memory_space<vmem>> -> memref<128xi32, #tpu.memory_space<vmem>>
      %dma_start3A_472 = tpu.memref_slice %arg3[%mul3A_460] : memref<320000xi32, #tpu.memory_space<hbm>> -> memref<128xi32, #tpu.memory_space<hbm>>
      tpu.enqueue_dma source(%dma_start3A_472 : memref<128xi32, #tpu.memory_space<hbm>>) target(%dma_start3A_471 : memref<128xi32, #tpu.memory_space<vmem>>) target_semaphore(%dma_start3A_468 : memref<!tpu.dma_semaphore, #tpu.memory_space<semaphore_mem>>)
      %dma_start3A_473 = arith.constant 1 : i32
      %dma_start3A_474 = arith.constant 1 : i32
      %dma_start3A_475 = arith.constant 0 : i32
      %dma_start3A_476 = arith.constant 0 : i32
      %dma_start3A_477 = tpu.memref_slice %arg7[%dma_start3A_473, %dma_start3A_475, %dma_start3A_476] : memref<3x128x128xf32, #tpu.memory_space<vmem>> -> memref<1x128x128xf32, #tpu.memory_space<vmem>>
      %dma_start3A_478 = tpu.memref_squeeze %dma_start3A_477 : memref<1x128x128xf32, #tpu.memory_space<vmem>> -> memref<128x128xf32, #tpu.memory_space<vmem>>
      %dma_start3A_479 = arith.constant 0 : i32
      %dma_start3A_480 = tpu.memref_slice %arg2[%mul3A_460, %dma_start3A_479] : memref<320000x128xf32, #tpu.memory_space<hbm>> -> memref<128x128xf32, #tpu.memory_space<hbm>>
      %dma_start3A_481 = tpu.memref_slice %arg8[%dma_start3A_474] : memref<3x!tpu.dma_semaphore, #tpu.memory_space<semaphore_mem>> -> memref<1x!tpu.dma_semaphore, #tpu.memory_space<semaphore_mem>>
      %dma_start3A_482 = tpu.memref_squeeze %dma_start3A_481 : memref<1x!tpu.dma_semaphore, #tpu.memory_space<semaphore_mem>> -> memref<!tpu.dma_semaphore, #tpu.memory_space<semaphore_mem>>
      %dma_start3A_483 = arith.constant 0 : i32
      %dma_start3A_484 = arith.constant 0 : i32
      %dma_start3A_485 = tpu.memref_slice %arg7[%dma_start3A_473, %dma_start3A_483, %dma_start3A_484] : memref<3x128x128xf32, #tpu.memory_space<vmem>> -> memref<1x128x128xf32, #tpu.memory_space<vmem>>
      %dma_start3A_486 = tpu.memref_squeeze %dma_start3A_485 : memref<1x128x128xf32, #tpu.memory_space<vmem>> -> memref<128x128xf32, #tpu.memory_space<vmem>>
      %dma_start3A_487 = arith.constant 0 : i32
      %dma_start3A_488 = tpu.memref_slice %arg2[%mul3A_460, %dma_start3A_487] : memref<320000x128xf32, #tpu.memory_space<hbm>> -> memref<128x128xf32, #tpu.memory_space<hbm>>
      tpu.enqueue_dma source(%dma_start3A_488 : memref<128x128xf32, #tpu.memory_space<hbm>>) target(%dma_start3A_486 : memref<128x128xf32, #tpu.memory_space<vmem>>) target_semaphore(%dma_start3A_482 : memref<!tpu.dma_semaphore, #tpu.memory_space<semaphore_mem>>)
      %dma_wait3A_489 = arith.constant 2 : i32
      %dma_wait3A_490 = arith.constant 2 : i32
      %dma_wait3A_491 = arith.constant 0 : i32
      %dma_wait3A_492 = tpu.memref_slice %arg6[%dma_wait3A_489, %dma_wait3A_491] : memref<3x128xi32, #tpu.memory_space<vmem>> -> memref<1x128xi32, #tpu.memory_space<vmem>>
      %dma_wait3A_493 = tpu.memref_squeeze %dma_wait3A_492 : memref<1x128xi32, #tpu.memory_space<vmem>> -> memref<128xi32, #tpu.memory_space<vmem>>
      %dma_wait3A_494 = arith.constant 0 : i32
      %dma_wait3A_495 = tpu.memref_slice %arg3[%dma_wait3A_494] : memref<320000xi32, #tpu.memory_space<hbm>> -> memref<128xi32, #tpu.memory_space<hbm>>
      %dma_wait3A_496 = tpu.memref_slice %arg8[%dma_wait3A_490] : memref<3x!tpu.dma_semaphore, #tpu.memory_space<semaphore_mem>> -> memref<1x!tpu.dma_semaphore, #tpu.memory_space<semaphore_mem>>
      %dma_wait3A_497 = tpu.memref_squeeze %dma_wait3A_496 : memref<1x!tpu.dma_semaphore, #tpu.memory_space<semaphore_mem>> -> memref<!tpu.dma_semaphore, #tpu.memory_space<semaphore_mem>>
      %dma_wait3A_498 = arith.constant 0 : i32
      %dma_wait3A_499 = tpu.memref_slice %arg6[%dma_wait3A_489, %dma_wait3A_498] : memref<3x128xi32, #tpu.memory_space<vmem>> -> memref<1x128xi32, #tpu.memory_space<vmem>>
      %dma_wait3A_500 = tpu.memref_squeeze %dma_wait3A_499 : memref<1x128xi32, #tpu.memory_space<vmem>> -> memref<128xi32, #tpu.memory_space<vmem>>
      %dma_wait3A_501 = arith.constant 0 : i32
      %dma_wait3A_502 = tpu.memref_slice %arg3[%dma_wait3A_501] : memref<320000xi32, #tpu.memory_space<hbm>> -> memref<128xi32, #tpu.memory_space<hbm>>
      tpu.wait_dma2 semaphore(%dma_wait3A_497 : memref<!tpu.dma_semaphore, #tpu.memory_space<semaphore_mem>>) src(%dma_wait3A_502 : memref<128xi32, #tpu.memory_space<hbm>>) dst(%dma_wait3A_500 : memref<128xi32, #tpu.memory_space<vmem>>)
      %dma_wait3A_503 = arith.constant 2 : i32
      %dma_wait3A_504 = arith.constant 2 : i32
      %dma_wait3A_505 = arith.constant 0 : i32
      %dma_wait3A_506 = arith.constant 0 : i32
      %dma_wait3A_507 = tpu.memref_slice %arg7[%dma_wait3A_503, %dma_wait3A_505, %dma_wait3A_506] : memref<3x128x128xf32, #tpu.memory_space<vmem>> -> memref<1x128x128xf32, #tpu.memory_space<vmem>>
      %dma_wait3A_508 = tpu.memref_squeeze %dma_wait3A_507 : memref<1x128x128xf32, #tpu.memory_space<vmem>> -> memref<128x128xf32, #tpu.memory_space<vmem>>
      %dma_wait3A_509 = arith.constant 0 : i32
      %dma_wait3A_510 = arith.constant 0 : i32
      %dma_wait3A_511 = tpu.memref_slice %arg2[%dma_wait3A_509, %dma_wait3A_510] : memref<320000x128xf32, #tpu.memory_space<hbm>> -> memref<128x128xf32, #tpu.memory_space<hbm>>
      %dma_wait3A_512 = tpu.memref_slice %arg8[%dma_wait3A_504] : memref<3x!tpu.dma_semaphore, #tpu.memory_space<semaphore_mem>> -> memref<1x!tpu.dma_semaphore, #tpu.memory_space<semaphore_mem>>
      %dma_wait3A_513 = tpu.memref_squeeze %dma_wait3A_512 : memref<1x!tpu.dma_semaphore, #tpu.memory_space<semaphore_mem>> -> memref<!tpu.dma_semaphore, #tpu.memory_space<semaphore_mem>>
      %dma_wait3A_514 = arith.constant 0 : i32
      %dma_wait3A_515 = arith.constant 0 : i32
      %dma_wait3A_516 = tpu.memref_slice %arg7[%dma_wait3A_503, %dma_wait3A_514, %dma_wait3A_515] : memref<3x128x128xf32, #tpu.memory_space<vmem>> -> memref<1x128x128xf32, #tpu.memory_space<vmem>>
      %dma_wait3A_517 = tpu.memref_squeeze %dma_wait3A_516 : memref<1x128x128xf32, #tpu.memory_space<vmem>> -> memref<128x128xf32, #tpu.memory_space<vmem>>
      %dma_wait3A_518 = arith.constant 0 : i32
      %dma_wait3A_519 = arith.constant 0 : i32
      %dma_wait3A_520 = tpu.memref_slice %arg2[%dma_wait3A_518, %dma_wait3A_519] : memref<320000x128xf32, #tpu.memory_space<hbm>> -> memref<128x128xf32, #tpu.memory_space<hbm>>
      tpu.wait_dma2 semaphore(%dma_wait3A_513 : memref<!tpu.dma_semaphore, #tpu.memory_space<semaphore_mem>>) src(%dma_wait3A_520 : memref<128x128xf32, #tpu.memory_space<hbm>>) dst(%dma_wait3A_517 : memref<128x128xf32, #tpu.memory_space<vmem>>)
      %dma_start3A_521 = arith.constant 2 : i32
      %dma_start3A_522 = arith.constant 2 : i32
      %dma_start3A_523 = arith.constant 2 : i32
      %dma_start3A_524 = arith.constant 0 : i32
      %dma_start3A_525 = arith.constant 0 : i32
      %dma_start3A_526 = tpu.memref_slice %arg7[%dma_start3A_521, %dma_start3A_524, %dma_start3A_525] : memref<3x128x128xf32, #tpu.memory_space<vmem>> -> memref<1x128x128xf32, #tpu.memory_space<vmem>>
      %dma_start3A_527 = tpu.memref_squeeze %dma_start3A_526 : memref<1x128x128xf32, #tpu.memory_space<vmem>> -> memref<128x128xf32, #tpu.memory_space<vmem>>
      %dma_start3A_528 = arith.constant 0 : i32
      %dma_start3A_529 = tpu.memref_slice %arg6[%dma_start3A_522, %dma_start3A_528] : memref<3x128xi32, #tpu.memory_space<vmem>> -> memref<1x128xi32, #tpu.memory_space<vmem>>
      %dma_start3A_530 = tpu.memref_squeeze %dma_start3A_529 : memref<1x128xi32, #tpu.memory_space<vmem>> -> memref<128xi32, #tpu.memory_space<vmem>>
      %dma_start3A_531 = arith.constant 0 : i32
      %dma_start3A_532 = arith.constant 0 : i32
      %dma_start3A_533 = tpu.memref_slice %arg5[%dma_start3A_531, %dma_start3A_532] : memref<10000x128xf32, #tpu.memory_space<vmem_shared>> -> memref<10000x128xf32, #tpu.memory_space<vmem_shared>>
      %dma_start3A_534 = tpu.memref_slice %arg9[%dma_start3A_523] : memref<3x!tpu.dma_semaphore, #tpu.memory_space<semaphore_mem>> -> memref<1x!tpu.dma_semaphore, #tpu.memory_space<semaphore_mem>>
      %dma_start3A_535 = tpu.memref_squeeze %dma_start3A_534 : memref<1x!tpu.dma_semaphore, #tpu.memory_space<semaphore_mem>> -> memref<!tpu.dma_semaphore, #tpu.memory_space<semaphore_mem>>
      tpu.enqueue_indirect_dma source(%dma_start3A_527 : memref<128x128xf32, #tpu.memory_space<vmem>>) target(%dma_start3A_533 : memref<10000x128xf32, #tpu.memory_space<vmem_shared>>) offsets(%dma_start3A_530 : memref<128xi32, #tpu.memory_space<vmem>>) semaphore(%dma_start3A_535 : memref<!tpu.dma_semaphore, #tpu.memory_space<semaphore_mem>>) {add = true}
      %mul3A_536 = arith.constant 3 : i32
      %mul3A_537 = arith.muli %scan3A_328, %mul3A_536 : i32
      %add3A_538 = arith.constant 1 : i32
      %add3A_539 = arith.addi %add3A_538, %mul3A_537 : i32
      %add3A_540 = arith.constant 2 : i32
      %add3A_541 = arith.addi %add3A_539, %add3A_540 : i32
      %dma_wait3A_542 = arith.constant 2 : i32
      %dma_wait3A_543 = arith.constant 2 : i32
      %dma_wait3A_544 = arith.constant 2 : i32
      %dma_wait3A_545 = arith.constant 0 : i32
      %dma_wait3A_546 = arith.constant 0 : i32
      %dma_wait3A_547 = tpu.memref_slice %arg7[%dma_wait3A_542, %dma_wait3A_545, %dma_wait3A_546] : memref<3x128x128xf32, #tpu.memory_space<vmem>> -> memref<1x128x128xf32, #tpu.memory_space<vmem>>
      %dma_wait3A_548 = tpu.memref_squeeze %dma_wait3A_547 : memref<1x128x128xf32, #tpu.memory_space<vmem>> -> memref<128x128xf32, #tpu.memory_space<vmem>>
      %dma_wait3A_549 = arith.constant 0 : i32
      %dma_wait3A_550 = tpu.memref_slice %arg6[%dma_wait3A_543, %dma_wait3A_549] : memref<3x128xi32, #tpu.memory_space<vmem>> -> memref<1x128xi32, #tpu.memory_space<vmem>>
      %dma_wait3A_551 = tpu.memref_squeeze %dma_wait3A_550 : memref<1x128xi32, #tpu.memory_space<vmem>> -> memref<128xi32, #tpu.memory_space<vmem>>
      %dma_wait3A_552 = arith.constant 0 : i32
      %dma_wait3A_553 = arith.constant 0 : i32
      %dma_wait3A_554 = tpu.memref_slice %arg5[%dma_wait3A_552, %dma_wait3A_553] : memref<10000x128xf32, #tpu.memory_space<vmem_shared>> -> memref<10000x128xf32, #tpu.memory_space<vmem_shared>>
      %dma_wait3A_555 = tpu.memref_slice %arg9[%dma_wait3A_544] : memref<3x!tpu.dma_semaphore, #tpu.memory_space<semaphore_mem>> -> memref<1x!tpu.dma_semaphore, #tpu.memory_space<semaphore_mem>>
      %dma_wait3A_556 = tpu.memref_squeeze %dma_wait3A_555 : memref<1x!tpu.dma_semaphore, #tpu.memory_space<semaphore_mem>> -> memref<!tpu.dma_semaphore, #tpu.memory_space<semaphore_mem>>
      tpu.wait_indirect_dma semaphore(%dma_wait3A_556 : memref<!tpu.dma_semaphore, #tpu.memory_space<semaphore_mem>>) src(%dma_wait3A_548 : memref<128x128xf32, #tpu.memory_space<vmem>>) dst(%dma_wait3A_554 : memref<10000x128xf32, #tpu.memory_space<vmem_shared>>)
      %add3A_557 = arith.constant 2 : i32
      %add3A_558 = arith.addi %add3A_541, %add3A_557 : i32
      %mul3A_559 = arith.constant 32 : i32
      %mul3A_560 = arith.muli %add3A_558, %mul3A_559 : i32
      %add3A_561 = arith.addi %add3A, %mul3A_560 : i32
      %mul3A_562 = arith.constant 128 : i32
      %mul3A_563 = arith.muli %add3A_561, %mul3A_562 : i32
      %dma_start3A_564 = arith.constant 2 : i32
      %dma_start3A_565 = arith.constant 2 : i32
      %dma_start3A_566 = arith.constant 0 : i32
      %dma_start3A_567 = tpu.memref_slice %arg6[%dma_start3A_564, %dma_start3A_566] : memref<3x128xi32, #tpu.memory_space<vmem>> -> memref<1x128xi32, #tpu.memory_space<vmem>>
      %dma_start3A_568 = tpu.memref_squeeze %dma_start3A_567 : memref<1x128xi32, #tpu.memory_space<vmem>> -> memref<128xi32, #tpu.memory_space<vmem>>
      %dma_start3A_569 = tpu.memref_slice %arg3[%mul3A_563] : memref<320000xi32, #tpu.memory_space<hbm>> -> memref<128xi32, #tpu.memory_space<hbm>>
      %dma_start3A_570 = tpu.memref_slice %arg8[%dma_start3A_565] : memref<3x!tpu.dma_semaphore, #tpu.memory_space<semaphore_mem>> -> memref<1x!tpu.dma_semaphore, #tpu.memory_space<semaphore_mem>>
      %dma_start3A_571 = tpu.memref_squeeze %dma_start3A_570 : memref<1x!tpu.dma_semaphore, #tpu.memory_space<semaphore_mem>> -> memref<!tpu.dma_semaphore, #tpu.memory_space<semaphore_mem>>
      %dma_start3A_572 = arith.constant 0 : i32
      %dma_start3A_573 = tpu.memref_slice %arg6[%dma_start3A_564, %dma_start3A_572] : memref<3x128xi32, #tpu.memory_space<vmem>> -> memref<1x128xi32, #tpu.memory_space<vmem>>
      %dma_start3A_574 = tpu.memref_squeeze %dma_start3A_573 : memref<1x128xi32, #tpu.memory_space<vmem>> -> memref<128xi32, #tpu.memory_space<vmem>>
      %dma_start3A_575 = tpu.memref_slice %arg3[%mul3A_563] : memref<320000xi32, #tpu.memory_space<hbm>> -> memref<128xi32, #tpu.memory_space<hbm>>
      tpu.enqueue_dma source(%dma_start3A_575 : memref<128xi32, #tpu.memory_space<hbm>>) target(%dma_start3A_574 : memref<128xi32, #tpu.memory_space<vmem>>) target_semaphore(%dma_start3A_571 : memref<!tpu.dma_semaphore, #tpu.memory_space<semaphore_mem>>)
      %dma_start3A_576 = arith.constant 2 : i32
      %dma_start3A_577 = arith.constant 2 : i32
      %dma_start3A_578 = arith.constant 0 : i32
      %dma_start3A_579 = arith.constant 0 : i32
      %dma_start3A_580 = tpu.memref_slice %arg7[%dma_start3A_576, %dma_start3A_578, %dma_start3A_579] : memref<3x128x128xf32, #tpu.memory_space<vmem>> -> memref<1x128x128xf32, #tpu.memory_space<vmem>>
      %dma_start3A_581 = tpu.memref_squeeze %dma_start3A_580 : memref<1x128x128xf32, #tpu.memory_space<vmem>> -> memref<128x128xf32, #tpu.memory_space<vmem>>
      %dma_start3A_582 = arith.constant 0 : i32
      %dma_start3A_583 = tpu.memref_slice %arg2[%mul3A_563, %dma_start3A_582] : memref<320000x128xf32, #tpu.memory_space<hbm>> -> memref<128x128xf32, #tpu.memory_space<hbm>>
      %dma_start3A_584 = tpu.memref_slice %arg8[%dma_start3A_577] : memref<3x!tpu.dma_semaphore, #tpu.memory_space<semaphore_mem>> -> memref<1x!tpu.dma_semaphore, #tpu.memory_space<semaphore_mem>>
      %dma_start3A_585 = tpu.memref_squeeze %dma_start3A_584 : memref<1x!tpu.dma_semaphore, #tpu.memory_space<semaphore_mem>> -> memref<!tpu.dma_semaphore, #tpu.memory_space<semaphore_mem>>
      %dma_start3A_586 = arith.constant 0 : i32
      %dma_start3A_587 = arith.constant 0 : i32
      %dma_start3A_588 = tpu.memref_slice %arg7[%dma_start3A_576, %dma_start3A_586, %dma_start3A_587] : memref<3x128x128xf32, #tpu.memory_space<vmem>> -> memref<1x128x128xf32, #tpu.memory_space<vmem>>
      %dma_start3A_589 = tpu.memref_squeeze %dma_start3A_588 : memref<1x128x128xf32, #tpu.memory_space<vmem>> -> memref<128x128xf32, #tpu.memory_space<vmem>>
      %dma_start3A_590 = arith.constant 0 : i32
      %dma_start3A_591 = tpu.memref_slice %arg2[%mul3A_563, %dma_start3A_590] : memref<320000x128xf32, #tpu.memory_space<hbm>> -> memref<128x128xf32, #tpu.memory_space<hbm>>
      tpu.enqueue_dma source(%dma_start3A_591 : memref<128x128xf32, #tpu.memory_space<hbm>>) target(%dma_start3A_589 : memref<128x128xf32, #tpu.memory_space<vmem>>) target_semaphore(%dma_start3A_585 : memref<!tpu.dma_semaphore, #tpu.memory_space<semaphore_mem>>)
      %dma_wait3A_592 = arith.constant 0 : i32
      %dma_wait3A_593 = arith.constant 0 : i32
      %dma_wait3A_594 = arith.constant 0 : i32
      %dma_wait3A_595 = tpu.memref_slice %arg6[%dma_wait3A_592, %dma_wait3A_594] : memref<3x128xi32, #tpu.memory_space<vmem>> -> memref<1x128xi32, #tpu.memory_space<vmem>>
      %dma_wait3A_596 = tpu.memref_squeeze %dma_wait3A_595 : memref<1x128xi32, #tpu.memory_space<vmem>> -> memref<128xi32, #tpu.memory_space<vmem>>
      %dma_wait3A_597 = arith.constant 0 : i32
      %dma_wait3A_598 = tpu.memref_slice %arg3[%dma_wait3A_597] : memref<320000xi32, #tpu.memory_space<hbm>> -> memref<128xi32, #tpu.memory_space<hbm>>
      %dma_wait3A_599 = tpu.memref_slice %arg8[%dma_wait3A_593] : memref<3x!tpu.dma_semaphore, #tpu.memory_space<semaphore_mem>> -> memref<1x!tpu.dma_semaphore, #tpu.memory_space<semaphore_mem>>
      %dma_wait3A_600 = tpu.memref_squeeze %dma_wait3A_599 : memref<1x!tpu.dma_semaphore, #tpu.memory_space<semaphore_mem>> -> memref<!tpu.dma_semaphore, #tpu.memory_space<semaphore_mem>>
      %dma_wait3A_601 = arith.constant 0 : i32
      %dma_wait3A_602 = tpu.memref_slice %arg6[%dma_wait3A_592, %dma_wait3A_601] : memref<3x128xi32, #tpu.memory_space<vmem>> -> memref<1x128xi32, #tpu.memory_space<vmem>>
      %dma_wait3A_603 = tpu.memref_squeeze %dma_wait3A_602 : memref<1x128xi32, #tpu.memory_space<vmem>> -> memref<128xi32, #tpu.memory_space<vmem>>
      %dma_wait3A_604 = arith.constant 0 : i32
      %dma_wait3A_605 = tpu.memref_slice %arg3[%dma_wait3A_604] : memref<320000xi32, #tpu.memory_space<hbm>> -> memref<128xi32, #tpu.memory_space<hbm>>
      tpu.wait_dma2 semaphore(%dma_wait3A_600 : memref<!tpu.dma_semaphore, #tpu.memory_space<semaphore_mem>>) src(%dma_wait3A_605 : memref<128xi32, #tpu.memory_space<hbm>>) dst(%dma_wait3A_603 : memref<128xi32, #tpu.memory_space<vmem>>)
      %dma_wait3A_606 = arith.constant 0 : i32
      %dma_wait3A_607 = arith.constant 0 : i32
      %dma_wait3A_608 = arith.constant 0 : i32
      %dma_wait3A_609 = arith.constant 0 : i32
      %dma_wait3A_610 = tpu.memref_slice %arg7[%dma_wait3A_606, %dma_wait3A_608, %dma_wait3A_609] : memref<3x128x128xf32, #tpu.memory_space<vmem>> -> memref<1x128x128xf32, #tpu.memory_space<vmem>>
      %dma_wait3A_611 = tpu.memref_squeeze %dma_wait3A_610 : memref<1x128x128xf32, #tpu.memory_space<vmem>> -> memref<128x128xf32, #tpu.memory_space<vmem>>
      %dma_wait3A_612 = arith.constant 0 : i32
      %dma_wait3A_613 = arith.constant 0 : i32
      %dma_wait3A_614 = tpu.memref_slice %arg2[%dma_wait3A_612, %dma_wait3A_613] : memref<320000x128xf32, #tpu.memory_space<hbm>> -> memref<128x128xf32, #tpu.memory_space<hbm>>
      %dma_wait3A_615 = tpu.memref_slice %arg8[%dma_wait3A_607] : memref<3x!tpu.dma_semaphore, #tpu.memory_space<semaphore_mem>> -> memref<1x!tpu.dma_semaphore, #tpu.memory_space<semaphore_mem>>
      %dma_wait3A_616 = tpu.memref_squeeze %dma_wait3A_615 : memref<1x!tpu.dma_semaphore, #tpu.memory_space<semaphore_mem>> -> memref<!tpu.dma_semaphore, #tpu.memory_space<semaphore_mem>>
      %dma_wait3A_617 = arith.constant 0 : i32
      %dma_wait3A_618 = arith.constant 0 : i32
      %dma_wait3A_619 = tpu.memref_slice %arg7[%dma_wait3A_606, %dma_wait3A_617, %dma_wait3A_618] : memref<3x128x128xf32, #tpu.memory_space<vmem>> -> memref<1x128x128xf32, #tpu.memory_space<vmem>>
      %dma_wait3A_620 = tpu.memref_squeeze %dma_wait3A_619 : memref<1x128x128xf32, #tpu.memory_space<vmem>> -> memref<128x128xf32, #tpu.memory_space<vmem>>
      %dma_wait3A_621 = arith.constant 0 : i32
      %dma_wait3A_622 = arith.constant 0 : i32
      %dma_wait3A_623 = tpu.memref_slice %arg2[%dma_wait3A_621, %dma_wait3A_622] : memref<320000x128xf32, #tpu.memory_space<hbm>> -> memref<128x128xf32, #tpu.memory_space<hbm>>
      tpu.wait_dma2 semaphore(%dma_wait3A_616 : memref<!tpu.dma_semaphore, #tpu.memory_space<semaphore_mem>>) src(%dma_wait3A_623 : memref<128x128xf32, #tpu.memory_space<hbm>>) dst(%dma_wait3A_620 : memref<128x128xf32, #tpu.memory_space<vmem>>)
      %dma_start3A_624 = arith.constant 0 : i32
      %dma_start3A_625 = arith.constant 0 : i32
      %dma_start3A_626 = arith.constant 0 : i32
      %dma_start3A_627 = arith.constant 0 : i32
      %dma_start3A_628 = arith.constant 0 : i32
      %dma_start3A_629 = tpu.memref_slice %arg7[%dma_start3A_624, %dma_start3A_627, %dma_start3A_628] : memref<3x128x128xf32, #tpu.memory_space<vmem>> -> memref<1x128x128xf32, #tpu.memory_space<vmem>>
      %dma_start3A_630 = tpu.memref_squeeze %dma_start3A_629 : memref<1x128x128xf32, #tpu.memory_space<vmem>> -> memref<128x128xf32, #tpu.memory_space<vmem>>
      %dma_start3A_631 = arith.constant 0 : i32
      %dma_start3A_632 = tpu.memref_slice %arg6[%dma_start3A_625, %dma_start3A_631] : memref<3x128xi32, #tpu.memory_space<vmem>> -> memref<1x128xi32, #tpu.memory_space<vmem>>
      %dma_start3A_633 = tpu.memref_squeeze %dma_start3A_632 : memref<1x128xi32, #tpu.memory_space<vmem>> -> memref<128xi32, #tpu.memory_space<vmem>>
      %dma_start3A_634 = arith.constant 0 : i32
      %dma_start3A_635 = arith.constant 0 : i32
      %dma_start3A_636 = tpu.memref_slice %arg5[%dma_start3A_634, %dma_start3A_635] : memref<10000x128xf32, #tpu.memory_space<vmem_shared>> -> memref<10000x128xf32, #tpu.memory_space<vmem_shared>>
      %dma_start3A_637 = tpu.memref_slice %arg9[%dma_start3A_626] : memref<3x!tpu.dma_semaphore, #tpu.memory_space<semaphore_mem>> -> memref<1x!tpu.dma_semaphore, #tpu.memory_space<semaphore_mem>>
      %dma_start3A_638 = tpu.memref_squeeze %dma_start3A_637 : memref<1x!tpu.dma_semaphore, #tpu.memory_space<semaphore_mem>> -> memref<!tpu.dma_semaphore, #tpu.memory_space<semaphore_mem>>
      tpu.enqueue_indirect_dma source(%dma_start3A_630 : memref<128x128xf32, #tpu.memory_space<vmem>>) target(%dma_start3A_636 : memref<10000x128xf32, #tpu.memory_space<vmem_shared>>) offsets(%dma_start3A_633 : memref<128xi32, #tpu.memory_space<vmem>>) semaphore(%dma_start3A_638 : memref<!tpu.dma_semaphore, #tpu.memory_space<semaphore_mem>>) {add = true}
      %scan3A_639 = arith.constant 0 : i32
      scf.yield %scan3A_639 : i32
    }
    %scan3A_173 = arith.constant 25 : i32
    %dma_wait3A_174 = arith.constant 0 : i32
    %dma_wait3A_175 = arith.constant 0 : i32
    %dma_wait3A_176 = arith.constant 0 : i32
    %dma_wait3A_177 = arith.constant 0 : i32
    %dma_wait3A_178 = arith.constant 0 : i32
    %dma_wait3A_179 = tpu.memref_slice %arg7[%dma_wait3A_174, %dma_wait3A_177, %dma_wait3A_178] : memref<3x128x128xf32, #tpu.memory_space<vmem>> -> memref<1x128x128xf32, #tpu.memory_space<vmem>>
    %dma_wait3A_180 = tpu.memref_squeeze %dma_wait3A_179 : memref<1x128x128xf32, #tpu.memory_space<vmem>> -> memref<128x128xf32, #tpu.memory_space<vmem>>
    %dma_wait3A_181 = arith.constant 0 : i32
    %dma_wait3A_182 = tpu.memref_slice %arg6[%dma_wait3A_175, %dma_wait3A_181] : memref<3x128xi32, #tpu.memory_space<vmem>> -> memref<1x128xi32, #tpu.memory_space<vmem>>
    %dma_wait3A_183 = tpu.memref_squeeze %dma_wait3A_182 : memref<1x128xi32, #tpu.memory_space<vmem>> -> memref<128xi32, #tpu.memory_space<vmem>>
    %dma_wait3A_184 = arith.constant 0 : i32
    %dma_wait3A_185 = arith.constant 0 : i32
    %dma_wait3A_186 = tpu.memref_slice %arg5[%dma_wait3A_184, %dma_wait3A_185] : memref<10000x128xf32, #tpu.memory_space<vmem_shared>> -> memref<10000x128xf32, #tpu.memory_space<vmem_shared>>
    %dma_wait3A_187 = tpu.memref_slice %arg9[%dma_wait3A_176] : memref<3x!tpu.dma_semaphore, #tpu.memory_space<semaphore_mem>> -> memref<1x!tpu.dma_semaphore, #tpu.memory_space<semaphore_mem>>
    %dma_wait3A_188 = tpu.memref_squeeze %dma_wait3A_187 : memref<1x!tpu.dma_semaphore, #tpu.memory_space<semaphore_mem>> -> memref<!tpu.dma_semaphore, #tpu.memory_space<semaphore_mem>>
    tpu.wait_indirect_dma semaphore(%dma_wait3A_188 : memref<!tpu.dma_semaphore, #tpu.memory_space<semaphore_mem>>) src(%dma_wait3A_180 : memref<128x128xf32, #tpu.memory_space<vmem>>) dst(%dma_wait3A_186 : memref<10000x128xf32, #tpu.memory_space<vmem_shared>>)
    %dma_wait3A_189 = arith.constant 1 : i32
    %dma_wait3A_190 = arith.constant 1 : i32
    %dma_wait3A_191 = arith.constant 0 : i32
    %dma_wait3A_192 = tpu.memref_slice %arg6[%dma_wait3A_189, %dma_wait3A_191] : memref<3x128xi32, #tpu.memory_space<vmem>> -> memref<1x128xi32, #tpu.memory_space<vmem>>
    %dma_wait3A_193 = tpu.memref_squeeze %dma_wait3A_192 : memref<1x128xi32, #tpu.memory_space<vmem>> -> memref<128xi32, #tpu.memory_space<vmem>>
    %dma_wait3A_194 = arith.constant 0 : i32
    %dma_wait3A_195 = tpu.memref_slice %arg3[%dma_wait3A_194] : memref<320000xi32, #tpu.memory_space<hbm>> -> memref<128xi32, #tpu.memory_space<hbm>>
    %dma_wait3A_196 = tpu.memref_slice %arg8[%dma_wait3A_190] : memref<3x!tpu.dma_semaphore, #tpu.memory_space<semaphore_mem>> -> memref<1x!tpu.dma_semaphore, #tpu.memory_space<semaphore_mem>>
    %dma_wait3A_197 = tpu.memref_squeeze %dma_wait3A_196 : memref<1x!tpu.dma_semaphore, #tpu.memory_space<semaphore_mem>> -> memref<!tpu.dma_semaphore, #tpu.memory_space<semaphore_mem>>
    %dma_wait3A_198 = arith.constant 0 : i32
    %dma_wait3A_199 = tpu.memref_slice %arg6[%dma_wait3A_189, %dma_wait3A_198] : memref<3x128xi32, #tpu.memory_space<vmem>> -> memref<1x128xi32, #tpu.memory_space<vmem>>
    %dma_wait3A_200 = tpu.memref_squeeze %dma_wait3A_199 : memref<1x128xi32, #tpu.memory_space<vmem>> -> memref<128xi32, #tpu.memory_space<vmem>>
    %dma_wait3A_201 = arith.constant 0 : i32
    %dma_wait3A_202 = tpu.memref_slice %arg3[%dma_wait3A_201] : memref<320000xi32, #tpu.memory_space<hbm>> -> memref<128xi32, #tpu.memory_space<hbm>>
    tpu.wait_dma2 semaphore(%dma_wait3A_197 : memref<!tpu.dma_semaphore, #tpu.memory_space<semaphore_mem>>) src(%dma_wait3A_202 : memref<128xi32, #tpu.memory_space<hbm>>) dst(%dma_wait3A_200 : memref<128xi32, #tpu.memory_space<vmem>>)
    %dma_wait3A_203 = arith.constant 1 : i32
    %dma_wait3A_204 = arith.constant 1 : i32
    %dma_wait3A_205 = arith.constant 0 : i32
    %dma_wait3A_206 = arith.constant 0 : i32
    %dma_wait3A_207 = tpu.memref_slice %arg7[%dma_wait3A_203, %dma_wait3A_205, %dma_wait3A_206] : memref<3x128x128xf32, #tpu.memory_space<vmem>> -> memref<1x128x128xf32, #tpu.memory_space<vmem>>
    %dma_wait3A_208 = tpu.memref_squeeze %dma_wait3A_207 : memref<1x128x128xf32, #tpu.memory_space<vmem>> -> memref<128x128xf32, #tpu.memory_space<vmem>>
    %dma_wait3A_209 = arith.constant 0 : i32
    %dma_wait3A_210 = arith.constant 0 : i32
    %dma_wait3A_211 = tpu.memref_slice %arg2[%dma_wait3A_209, %dma_wait3A_210] : memref<320000x128xf32, #tpu.memory_space<hbm>> -> memref<128x128xf32, #tpu.memory_space<hbm>>
    %dma_wait3A_212 = tpu.memref_slice %arg8[%dma_wait3A_204] : memref<3x!tpu.dma_semaphore, #tpu.memory_space<semaphore_mem>> -> memref<1x!tpu.dma_semaphore, #tpu.memory_space<semaphore_mem>>
    %dma_wait3A_213 = tpu.memref_squeeze %dma_wait3A_212 : memref<1x!tpu.dma_semaphore, #tpu.memory_space<semaphore_mem>> -> memref<!tpu.dma_semaphore, #tpu.memory_space<semaphore_mem>>
    %dma_wait3A_214 = arith.constant 0 : i32
    %dma_wait3A_215 = arith.constant 0 : i32
    %dma_wait3A_216 = tpu.memref_slice %arg7[%dma_wait3A_203, %dma_wait3A_214, %dma_wait3A_215] : memref<3x128x128xf32, #tpu.memory_space<vmem>> -> memref<1x128x128xf32, #tpu.memory_space<vmem>>
    %dma_wait3A_217 = tpu.memref_squeeze %dma_wait3A_216 : memref<1x128x128xf32, #tpu.memory_space<vmem>> -> memref<128x128xf32, #tpu.memory_space<vmem>>
    %dma_wait3A_218 = arith.constant 0 : i32
    %dma_wait3A_219 = arith.constant 0 : i32
    %dma_wait3A_220 = tpu.memref_slice %arg2[%dma_wait3A_218, %dma_wait3A_219] : memref<320000x128xf32, #tpu.memory_space<hbm>> -> memref<128x128xf32, #tpu.memory_space<hbm>>
    tpu.wait_dma2 semaphore(%dma_wait3A_213 : memref<!tpu.dma_semaphore, #tpu.memory_space<semaphore_mem>>) src(%dma_wait3A_220 : memref<128x128xf32, #tpu.memory_space<hbm>>) dst(%dma_wait3A_217 : memref<128x128xf32, #tpu.memory_space<vmem>>)
    %dma_start3A_221 = arith.constant 1 : i32
    %dma_start3A_222 = arith.constant 1 : i32
    %dma_start3A_223 = arith.constant 1 : i32
    %dma_start3A_224 = arith.constant 0 : i32
    %dma_start3A_225 = arith.constant 0 : i32
    %dma_start3A_226 = tpu.memref_slice %arg7[%dma_start3A_221, %dma_start3A_224, %dma_start3A_225] : memref<3x128x128xf32, #tpu.memory_space<vmem>> -> memref<1x128x128xf32, #tpu.memory_space<vmem>>
    %dma_start3A_227 = tpu.memref_squeeze %dma_start3A_226 : memref<1x128x128xf32, #tpu.memory_space<vmem>> -> memref<128x128xf32, #tpu.memory_space<vmem>>
    %dma_start3A_228 = arith.constant 0 : i32
    %dma_start3A_229 = tpu.memref_slice %arg6[%dma_start3A_222, %dma_start3A_228] : memref<3x128xi32, #tpu.memory_space<vmem>> -> memref<1x128xi32, #tpu.memory_space<vmem>>
    %dma_start3A_230 = tpu.memref_squeeze %dma_start3A_229 : memref<1x128xi32, #tpu.memory_space<vmem>> -> memref<128xi32, #tpu.memory_space<vmem>>
    %dma_start3A_231 = arith.constant 0 : i32
    %dma_start3A_232 = arith.constant 0 : i32
    %dma_start3A_233 = tpu.memref_slice %arg5[%dma_start3A_231, %dma_start3A_232] : memref<10000x128xf32, #tpu.memory_space<vmem_shared>> -> memref<10000x128xf32, #tpu.memory_space<vmem_shared>>
    %dma_start3A_234 = tpu.memref_slice %arg9[%dma_start3A_223] : memref<3x!tpu.dma_semaphore, #tpu.memory_space<semaphore_mem>> -> memref<1x!tpu.dma_semaphore, #tpu.memory_space<semaphore_mem>>
    %dma_start3A_235 = tpu.memref_squeeze %dma_start3A_234 : memref<1x!tpu.dma_semaphore, #tpu.memory_space<semaphore_mem>> -> memref<!tpu.dma_semaphore, #tpu.memory_space<semaphore_mem>>
    tpu.enqueue_indirect_dma source(%dma_start3A_227 : memref<128x128xf32, #tpu.memory_space<vmem>>) target(%dma_start3A_233 : memref<10000x128xf32, #tpu.memory_space<vmem_shared>>) offsets(%dma_start3A_230 : memref<128xi32, #tpu.memory_space<vmem>>) semaphore(%dma_start3A_235 : memref<!tpu.dma_semaphore, #tpu.memory_space<semaphore_mem>>) {add = true}
    %dma_wait3A_236 = arith.constant 1 : i32
    %dma_wait3A_237 = arith.constant 1 : i32
    %dma_wait3A_238 = arith.constant 1 : i32
    %dma_wait3A_239 = arith.constant 0 : i32
    %dma_wait3A_240 = arith.constant 0 : i32
    %dma_wait3A_241 = tpu.memref_slice %arg7[%dma_wait3A_236, %dma_wait3A_239, %dma_wait3A_240] : memref<3x128x128xf32, #tpu.memory_space<vmem>> -> memref<1x128x128xf32, #tpu.memory_space<vmem>>
    %dma_wait3A_242 = tpu.memref_squeeze %dma_wait3A_241 : memref<1x128x128xf32, #tpu.memory_space<vmem>> -> memref<128x128xf32, #tpu.memory_space<vmem>>
    %dma_wait3A_243 = arith.constant 0 : i32
    %dma_wait3A_244 = tpu.memref_slice %arg6[%dma_wait3A_237, %dma_wait3A_243] : memref<3x128xi32, #tpu.memory_space<vmem>> -> memref<1x128xi32, #tpu.memory_space<vmem>>
    %dma_wait3A_245 = tpu.memref_squeeze %dma_wait3A_244 : memref<1x128xi32, #tpu.memory_space<vmem>> -> memref<128xi32, #tpu.memory_space<vmem>>
    %dma_wait3A_246 = arith.constant 0 : i32
    %dma_wait3A_247 = arith.constant 0 : i32
    %dma_wait3A_248 = tpu.memref_slice %arg5[%dma_wait3A_246, %dma_wait3A_247] : memref<10000x128xf32, #tpu.memory_space<vmem_shared>> -> memref<10000x128xf32, #tpu.memory_space<vmem_shared>>
    %dma_wait3A_249 = tpu.memref_slice %arg9[%dma_wait3A_238] : memref<3x!tpu.dma_semaphore, #tpu.memory_space<semaphore_mem>> -> memref<1x!tpu.dma_semaphore, #tpu.memory_space<semaphore_mem>>
    %dma_wait3A_250 = tpu.memref_squeeze %dma_wait3A_249 : memref<1x!tpu.dma_semaphore, #tpu.memory_space<semaphore_mem>> -> memref<!tpu.dma_semaphore, #tpu.memory_space<semaphore_mem>>
    tpu.wait_indirect_dma semaphore(%dma_wait3A_250 : memref<!tpu.dma_semaphore, #tpu.memory_space<semaphore_mem>>) src(%dma_wait3A_242 : memref<128x128xf32, #tpu.memory_space<vmem>>) dst(%dma_wait3A_248 : memref<10000x128xf32, #tpu.memory_space<vmem_shared>>)
    %dma_wait3A_251 = arith.constant 2 : i32
    %dma_wait3A_252 = arith.constant 2 : i32
    %dma_wait3A_253 = arith.constant 0 : i32
    %dma_wait3A_254 = tpu.memref_slice %arg6[%dma_wait3A_251, %dma_wait3A_253] : memref<3x128xi32, #tpu.memory_space<vmem>> -> memref<1x128xi32, #tpu.memory_space<vmem>>
    %dma_wait3A_255 = tpu.memref_squeeze %dma_wait3A_254 : memref<1x128xi32, #tpu.memory_space<vmem>> -> memref<128xi32, #tpu.memory_space<vmem>>
    %dma_wait3A_256 = arith.constant 0 : i32
    %dma_wait3A_257 = tpu.memref_slice %arg3[%dma_wait3A_256] : memref<320000xi32, #tpu.memory_space<hbm>> -> memref<128xi32, #tpu.memory_space<hbm>>
    %dma_wait3A_258 = tpu.memref_slice %arg8[%dma_wait3A_252] : memref<3x!tpu.dma_semaphore, #tpu.memory_space<semaphore_mem>> -> memref<1x!tpu.dma_semaphore, #tpu.memory_space<semaphore_mem>>
    %dma_wait3A_259 = tpu.memref_squeeze %dma_wait3A_258 : memref<1x!tpu.dma_semaphore, #tpu.memory_space<semaphore_mem>> -> memref<!tpu.dma_semaphore, #tpu.memory_space<semaphore_mem>>
    %dma_wait3A_260 = arith.constant 0 : i32
    %dma_wait3A_261 = tpu.memref_slice %arg6[%dma_wait3A_251, %dma_wait3A_260] : memref<3x128xi32, #tpu.memory_space<vmem>> -> memref<1x128xi32, #tpu.memory_space<vmem>>
    %dma_wait3A_262 = tpu.memref_squeeze %dma_wait3A_261 : memref<1x128xi32, #tpu.memory_space<vmem>> -> memref<128xi32, #tpu.memory_space<vmem>>
    %dma_wait3A_263 = arith.constant 0 : i32
    %dma_wait3A_264 = tpu.memref_slice %arg3[%dma_wait3A_263] : memref<320000xi32, #tpu.memory_space<hbm>> -> memref<128xi32, #tpu.memory_space<hbm>>
    tpu.wait_dma2 semaphore(%dma_wait3A_259 : memref<!tpu.dma_semaphore, #tpu.memory_space<semaphore_mem>>) src(%dma_wait3A_264 : memref<128xi32, #tpu.memory_space<hbm>>) dst(%dma_wait3A_262 : memref<128xi32, #tpu.memory_space<vmem>>)
    %dma_wait3A_265 = arith.constant 2 : i32
    %dma_wait3A_266 = arith.constant 2 : i32
    %dma_wait3A_267 = arith.constant 0 : i32
    %dma_wait3A_268 = arith.constant 0 : i32
    %dma_wait3A_269 = tpu.memref_slice %arg7[%dma_wait3A_265, %dma_wait3A_267, %dma_wait3A_268] : memref<3x128x128xf32, #tpu.memory_space<vmem>> -> memref<1x128x128xf32, #tpu.memory_space<vmem>>
    %dma_wait3A_270 = tpu.memref_squeeze %dma_wait3A_269 : memref<1x128x128xf32, #tpu.memory_space<vmem>> -> memref<128x128xf32, #tpu.memory_space<vmem>>
    %dma_wait3A_271 = arith.constant 0 : i32
    %dma_wait3A_272 = arith.constant 0 : i32
    %dma_wait3A_273 = tpu.memref_slice %arg2[%dma_wait3A_271, %dma_wait3A_272] : memref<320000x128xf32, #tpu.memory_space<hbm>> -> memref<128x128xf32, #tpu.memory_space<hbm>>
    %dma_wait3A_274 = tpu.memref_slice %arg8[%dma_wait3A_266] : memref<3x!tpu.dma_semaphore, #tpu.memory_space<semaphore_mem>> -> memref<1x!tpu.dma_semaphore, #tpu.memory_space<semaphore_mem>>
    %dma_wait3A_275 = tpu.memref_squeeze %dma_wait3A_274 : memref<1x!tpu.dma_semaphore, #tpu.memory_space<semaphore_mem>> -> memref<!tpu.dma_semaphore, #tpu.memory_space<semaphore_mem>>
    %dma_wait3A_276 = arith.constant 0 : i32
    %dma_wait3A_277 = arith.constant 0 : i32
    %dma_wait3A_278 = tpu.memref_slice %arg7[%dma_wait3A_265, %dma_wait3A_276, %dma_wait3A_277] : memref<3x128x128xf32, #tpu.memory_space<vmem>> -> memref<1x128x128xf32, #tpu.memory_space<vmem>>
    %dma_wait3A_279 = tpu.memref_squeeze %dma_wait3A_278 : memref<1x128x128xf32, #tpu.memory_space<vmem>> -> memref<128x128xf32, #tpu.memory_space<vmem>>
    %dma_wait3A_280 = arith.constant 0 : i32
    %dma_wait3A_281 = arith.constant 0 : i32
    %dma_wait3A_282 = tpu.memref_slice %arg2[%dma_wait3A_280, %dma_wait3A_281] : memref<320000x128xf32, #tpu.memory_space<hbm>> -> memref<128x128xf32, #tpu.memory_space<hbm>>
    tpu.wait_dma2 semaphore(%dma_wait3A_275 : memref<!tpu.dma_semaphore, #tpu.memory_space<semaphore_mem>>) src(%dma_wait3A_282 : memref<128x128xf32, #tpu.memory_space<hbm>>) dst(%dma_wait3A_279 : memref<128x128xf32, #tpu.memory_space<vmem>>)
    %dma_start3A_283 = arith.constant 2 : i32
    %dma_start3A_284 = arith.constant 2 : i32
    %dma_start3A_285 = arith.constant 2 : i32
    %dma_start3A_286 = arith.constant 0 : i32
    %dma_start3A_287 = arith.constant 0 : i32
    %dma_start3A_288 = tpu.memref_slice %arg7[%dma_start3A_283, %dma_start3A_286, %dma_start3A_287] : memref<3x128x128xf32, #tpu.memory_space<vmem>> -> memref<1x128x128xf32, #tpu.memory_space<vmem>>
    %dma_start3A_289 = tpu.memref_squeeze %dma_start3A_288 : memref<1x128x128xf32, #tpu.memory_space<vmem>> -> memref<128x128xf32, #tpu.memory_space<vmem>>
    %dma_start3A_290 = arith.constant 0 : i32
    %dma_start3A_291 = tpu.memref_slice %arg6[%dma_start3A_284, %dma_start3A_290] : memref<3x128xi32, #tpu.memory_space<vmem>> -> memref<1x128xi32, #tpu.memory_space<vmem>>
    %dma_start3A_292 = tpu.memref_squeeze %dma_start3A_291 : memref<1x128xi32, #tpu.memory_space<vmem>> -> memref<128xi32, #tpu.memory_space<vmem>>
    %dma_start3A_293 = arith.constant 0 : i32
    %dma_start3A_294 = arith.constant 0 : i32
    %dma_start3A_295 = tpu.memref_slice %arg5[%dma_start3A_293, %dma_start3A_294] : memref<10000x128xf32, #tpu.memory_space<vmem_shared>> -> memref<10000x128xf32, #tpu.memory_space<vmem_shared>>
    %dma_start3A_296 = tpu.memref_slice %arg9[%dma_start3A_285] : memref<3x!tpu.dma_semaphore, #tpu.memory_space<semaphore_mem>> -> memref<1x!tpu.dma_semaphore, #tpu.memory_space<semaphore_mem>>
    %dma_start3A_297 = tpu.memref_squeeze %dma_start3A_296 : memref<1x!tpu.dma_semaphore, #tpu.memory_space<semaphore_mem>> -> memref<!tpu.dma_semaphore, #tpu.memory_space<semaphore_mem>>
    tpu.enqueue_indirect_dma source(%dma_start3A_289 : memref<128x128xf32, #tpu.memory_space<vmem>>) target(%dma_start3A_295 : memref<10000x128xf32, #tpu.memory_space<vmem_shared>>) offsets(%dma_start3A_292 : memref<128xi32, #tpu.memory_space<vmem>>) semaphore(%dma_start3A_297 : memref<!tpu.dma_semaphore, #tpu.memory_space<semaphore_mem>>) {add = true}
    %dma_wait3A_298 = arith.constant 2 : i32
    %dma_wait3A_299 = arith.constant 2 : i32
    %dma_wait3A_300 = arith.constant 2 : i32
    %dma_wait3A_301 = arith.constant 0 : i32
    %dma_wait3A_302 = arith.constant 0 : i32
    %dma_wait3A_303 = tpu.memref_slice %arg7[%dma_wait3A_298, %dma_wait3A_301, %dma_wait3A_302] : memref<3x128x128xf32, #tpu.memory_space<vmem>> -> memref<1x128x128xf32, #tpu.memory_space<vmem>>
    %dma_wait3A_304 = tpu.memref_squeeze %dma_wait3A_303 : memref<1x128x128xf32, #tpu.memory_space<vmem>> -> memref<128x128xf32, #tpu.memory_space<vmem>>
    %dma_wait3A_305 = arith.constant 0 : i32
    %dma_wait3A_306 = tpu.memref_slice %arg6[%dma_wait3A_299, %dma_wait3A_305] : memref<3x128xi32, #tpu.memory_space<vmem>> -> memref<1x128xi32, #tpu.memory_space<vmem>>
    %dma_wait3A_307 = tpu.memref_squeeze %dma_wait3A_306 : memref<1x128xi32, #tpu.memory_space<vmem>> -> memref<128xi32, #tpu.memory_space<vmem>>
    %dma_wait3A_308 = arith.constant 0 : i32
    %dma_wait3A_309 = arith.constant 0 : i32
    %dma_wait3A_310 = tpu.memref_slice %arg5[%dma_wait3A_308, %dma_wait3A_309] : memref<10000x128xf32, #tpu.memory_space<vmem_shared>> -> memref<10000x128xf32, #tpu.memory_space<vmem_shared>>
    %dma_wait3A_311 = tpu.memref_slice %arg9[%dma_wait3A_300] : memref<3x!tpu.dma_semaphore, #tpu.memory_space<semaphore_mem>> -> memref<1x!tpu.dma_semaphore, #tpu.memory_space<semaphore_mem>>
    %dma_wait3A_312 = tpu.memref_squeeze %dma_wait3A_311 : memref<1x!tpu.dma_semaphore, #tpu.memory_space<semaphore_mem>> -> memref<!tpu.dma_semaphore, #tpu.memory_space<semaphore_mem>>
    tpu.wait_indirect_dma semaphore(%dma_wait3A_312 : memref<!tpu.dma_semaphore, #tpu.memory_space<semaphore_mem>>) src(%dma_wait3A_304 : memref<128x128xf32, #tpu.memory_space<vmem>>) dst(%dma_wait3A_310 : memref<10000x128xf32, #tpu.memory_space<vmem_shared>>)
    %lt3A_313 = arith.constant 4 : i32
    %lt3A_314 = arith.cmpi slt, %add3A, %lt3A_313 : i32
    %convert_element_type3A_315 = arith.extui %lt3A_314 : i1 to i32
    %cond3A_316 = arith.constant 0 : i32
    %cond3A_317 = arith.cmpi ne, %convert_element_type3A_315, %cond3A_316 : i32
    scf.if %cond3A_317 {
      %add3A_328 = arith.constant 2496 : i32
      %add3A_329 = arith.addi %add3A_328, %add3A : i32
      %mul3A_330 = arith.constant 128 : i32
      %mul3A_331 = arith.muli %add3A_329, %mul3A_330 : i32
      %run_scoped3A_332 = arith.constant 0 : i32
      "tpu.region"() ({
        %run_scoped3A_336 = tpu.sem_alloc : memref<!tpu.dma_semaphore, #tpu.memory_space<semaphore_mem>>
        %dma_start3A_337 = arith.constant 0 : i32
        %dma_start3A_338 = tpu.memref_slice %arg6[%run_scoped3A_332, %dma_start3A_337] : memref<3x128xi32, #tpu.memory_space<vmem>> -> memref<1x128xi32, #tpu.memory_space<vmem>>
        %dma_start3A_339 = tpu.memref_squeeze %dma_start3A_338 : memref<1x128xi32, #tpu.memory_space<vmem>> -> memref<128xi32, #tpu.memory_space<vmem>>
        %dma_start3A_340 = tpu.memref_slice %arg3[%mul3A_331] : memref<320000xi32, #tpu.memory_space<hbm>> -> memref<128xi32, #tpu.memory_space<hbm>>
        %dma_start3A_341 = arith.constant 0 : i32
        %dma_start3A_342 = tpu.memref_slice %arg6[%run_scoped3A_332, %dma_start3A_341] : memref<3x128xi32, #tpu.memory_space<vmem>> -> memref<1x128xi32, #tpu.memory_space<vmem>>
        %dma_start3A_343 = tpu.memref_squeeze %dma_start3A_342 : memref<1x128xi32, #tpu.memory_space<vmem>> -> memref<128xi32, #tpu.memory_space<vmem>>
        %dma_start3A_344 = tpu.memref_slice %arg3[%mul3A_331] : memref<320000xi32, #tpu.memory_space<hbm>> -> memref<128xi32, #tpu.memory_space<hbm>>
        tpu.enqueue_dma source(%dma_start3A_344 : memref<128xi32, #tpu.memory_space<hbm>>) target(%dma_start3A_343 : memref<128xi32, #tpu.memory_space<vmem>>) target_semaphore(%run_scoped3A_336 : memref<!tpu.dma_semaphore, #tpu.memory_space<semaphore_mem>>)
        %dma_wait3A_345 = arith.constant 0 : i32
        %dma_wait3A_346 = tpu.memref_slice %arg6[%run_scoped3A_332, %dma_wait3A_345] : memref<3x128xi32, #tpu.memory_space<vmem>> -> memref<1x128xi32, #tpu.memory_space<vmem>>
        %dma_wait3A_347 = tpu.memref_squeeze %dma_wait3A_346 : memref<1x128xi32, #tpu.memory_space<vmem>> -> memref<128xi32, #tpu.memory_space<vmem>>
        %dma_wait3A_348 = tpu.memref_slice %arg3[%mul3A_331] : memref<320000xi32, #tpu.memory_space<hbm>> -> memref<128xi32, #tpu.memory_space<hbm>>
        %dma_wait3A_349 = arith.constant 0 : i32
        %dma_wait3A_350 = tpu.memref_slice %arg6[%run_scoped3A_332, %dma_wait3A_349] : memref<3x128xi32, #tpu.memory_space<vmem>> -> memref<1x128xi32, #tpu.memory_space<vmem>>
        %dma_wait3A_351 = tpu.memref_squeeze %dma_wait3A_350 : memref<1x128xi32, #tpu.memory_space<vmem>> -> memref<128xi32, #tpu.memory_space<vmem>>
        %dma_wait3A_352 = tpu.memref_slice %arg3[%mul3A_331] : memref<320000xi32, #tpu.memory_space<hbm>> -> memref<128xi32, #tpu.memory_space<hbm>>
        tpu.wait_dma2 semaphore(%run_scoped3A_336 : memref<!tpu.dma_semaphore, #tpu.memory_space<semaphore_mem>>) src(%dma_wait3A_352 : memref<128xi32, #tpu.memory_space<hbm>>) dst(%dma_wait3A_351 : memref<128xi32, #tpu.memory_space<vmem>>)
        tpu.yield
      }) : () -> ()
      %run_scoped3A_333 = arith.constant 0 : i32
      "tpu.region"() ({
        %run_scoped3A_336 = tpu.sem_alloc : memref<!tpu.dma_semaphore, #tpu.memory_space<semaphore_mem>>
        %dma_start3A_337 = arith.constant 0 : i32
        %dma_start3A_338 = arith.constant 0 : i32
        %dma_start3A_339 = tpu.memref_slice %arg7[%run_scoped3A_333, %dma_start3A_337, %dma_start3A_338] : memref<3x128x128xf32, #tpu.memory_space<vmem>> -> memref<1x128x128xf32, #tpu.memory_space<vmem>>
        %dma_start3A_340 = tpu.memref_squeeze %dma_start3A_339 : memref<1x128x128xf32, #tpu.memory_space<vmem>> -> memref<128x128xf32, #tpu.memory_space<vmem>>
        %dma_start3A_341 = arith.constant 0 : i32
        %dma_start3A_342 = tpu.memref_slice %arg2[%mul3A_331, %dma_start3A_341] : memref<320000x128xf32, #tpu.memory_space<hbm>> -> memref<128x128xf32, #tpu.memory_space<hbm>>
        %dma_start3A_343 = arith.constant 0 : i32
        %dma_start3A_344 = arith.constant 0 : i32
        %dma_start3A_345 = tpu.memref_slice %arg7[%run_scoped3A_333, %dma_start3A_343, %dma_start3A_344] : memref<3x128x128xf32, #tpu.memory_space<vmem>> -> memref<1x128x128xf32, #tpu.memory_space<vmem>>
        %dma_start3A_346 = tpu.memref_squeeze %dma_start3A_345 : memref<1x128x128xf32, #tpu.memory_space<vmem>> -> memref<128x128xf32, #tpu.memory_space<vmem>>
        %dma_start3A_347 = arith.constant 0 : i32
        %dma_start3A_348 = tpu.memref_slice %arg2[%mul3A_331, %dma_start3A_347] : memref<320000x128xf32, #tpu.memory_space<hbm>> -> memref<128x128xf32, #tpu.memory_space<hbm>>
        tpu.enqueue_dma source(%dma_start3A_348 : memref<128x128xf32, #tpu.memory_space<hbm>>) target(%dma_start3A_346 : memref<128x128xf32, #tpu.memory_space<vmem>>) target_semaphore(%run_scoped3A_336 : memref<!tpu.dma_semaphore, #tpu.memory_space<semaphore_mem>>)
        %dma_wait3A_349 = arith.constant 0 : i32
        %dma_wait3A_350 = arith.constant 0 : i32
        %dma_wait3A_351 = tpu.memref_slice %arg7[%run_scoped3A_333, %dma_wait3A_349, %dma_wait3A_350] : memref<3x128x128xf32, #tpu.memory_space<vmem>> -> memref<1x128x128xf32, #tpu.memory_space<vmem>>
        %dma_wait3A_352 = tpu.memref_squeeze %dma_wait3A_351 : memref<1x128x128xf32, #tpu.memory_space<vmem>> -> memref<128x128xf32, #tpu.memory_space<vmem>>
        %dma_wait3A_353 = arith.constant 0 : i32
        %dma_wait3A_354 = tpu.memref_slice %arg2[%mul3A_331, %dma_wait3A_353] : memref<320000x128xf32, #tpu.memory_space<hbm>> -> memref<128x128xf32, #tpu.memory_space<hbm>>
        %dma_wait3A_355 = arith.constant 0 : i32
        %dma_wait3A_356 = arith.constant 0 : i32
        %dma_wait3A_357 = tpu.memref_slice %arg7[%run_scoped3A_333, %dma_wait3A_355, %dma_wait3A_356] : memref<3x128x128xf32, #tpu.memory_space<vmem>> -> memref<1x128x128xf32, #tpu.memory_space<vmem>>
        %dma_wait3A_358 = tpu.memref_squeeze %dma_wait3A_357 : memref<1x128x128xf32, #tpu.memory_space<vmem>> -> memref<128x128xf32, #tpu.memory_space<vmem>>
        %dma_wait3A_359 = arith.constant 0 : i32
        %dma_wait3A_360 = tpu.memref_slice %arg2[%mul3A_331, %dma_wait3A_359] : memref<320000x128xf32, #tpu.memory_space<hbm>> -> memref<128x128xf32, #tpu.memory_space<hbm>>
        tpu.wait_dma2 semaphore(%run_scoped3A_336 : memref<!tpu.dma_semaphore, #tpu.memory_space<semaphore_mem>>) src(%dma_wait3A_360 : memref<128x128xf32, #tpu.memory_space<hbm>>) dst(%dma_wait3A_358 : memref<128x128xf32, #tpu.memory_space<vmem>>)
        tpu.yield
      }) : () -> ()
      %run_scoped3A_334 = arith.constant 0 : i32
      %run_scoped3A_335 = arith.constant 0 : i32
      "tpu.region"() ({
        %run_scoped3A_336 = tpu.sem_alloc : memref<!tpu.dma_semaphore, #tpu.memory_space<semaphore_mem>>
        %dma_start3A_337 = arith.constant 0 : i32
        %dma_start3A_338 = arith.constant 0 : i32
        %dma_start3A_339 = tpu.memref_slice %arg7[%run_scoped3A_334, %dma_start3A_337, %dma_start3A_338] : memref<3x128x128xf32, #tpu.memory_space<vmem>> -> memref<1x128x128xf32, #tpu.memory_space<vmem>>
        %dma_start3A_340 = tpu.memref_squeeze %dma_start3A_339 : memref<1x128x128xf32, #tpu.memory_space<vmem>> -> memref<128x128xf32, #tpu.memory_space<vmem>>
        %dma_start3A_341 = arith.constant 0 : i32
        %dma_start3A_342 = tpu.memref_slice %arg6[%run_scoped3A_335, %dma_start3A_341] : memref<3x128xi32, #tpu.memory_space<vmem>> -> memref<1x128xi32, #tpu.memory_space<vmem>>
        %dma_start3A_343 = tpu.memref_squeeze %dma_start3A_342 : memref<1x128xi32, #tpu.memory_space<vmem>> -> memref<128xi32, #tpu.memory_space<vmem>>
        %dma_start3A_344 = arith.constant 0 : i32
        %dma_start3A_345 = arith.constant 0 : i32
        %dma_start3A_346 = tpu.memref_slice %arg5[%dma_start3A_344, %dma_start3A_345] : memref<10000x128xf32, #tpu.memory_space<vmem_shared>> -> memref<10000x128xf32, #tpu.memory_space<vmem_shared>>
        tpu.enqueue_indirect_dma source(%dma_start3A_340 : memref<128x128xf32, #tpu.memory_space<vmem>>) target(%dma_start3A_346 : memref<10000x128xf32, #tpu.memory_space<vmem_shared>>) offsets(%dma_start3A_343 : memref<128xi32, #tpu.memory_space<vmem>>) semaphore(%run_scoped3A_336 : memref<!tpu.dma_semaphore, #tpu.memory_space<semaphore_mem>>) {add = true}
        %dma_wait3A_347 = arith.constant 0 : i32
        %dma_wait3A_348 = arith.constant 0 : i32
        %dma_wait3A_349 = tpu.memref_slice %arg7[%run_scoped3A_334, %dma_wait3A_347, %dma_wait3A_348] : memref<3x128x128xf32, #tpu.memory_space<vmem>> -> memref<1x128x128xf32, #tpu.memory_space<vmem>>
        %dma_wait3A_350 = tpu.memref_squeeze %dma_wait3A_349 : memref<1x128x128xf32, #tpu.memory_space<vmem>> -> memref<128x128xf32, #tpu.memory_space<vmem>>
        %dma_wait3A_351 = arith.constant 0 : i32
        %dma_wait3A_352 = tpu.memref_slice %arg6[%run_scoped3A_335, %dma_wait3A_351] : memref<3x128xi32, #tpu.memory_space<vmem>> -> memref<1x128xi32, #tpu.memory_space<vmem>>
        %dma_wait3A_353 = tpu.memref_squeeze %dma_wait3A_352 : memref<1x128xi32, #tpu.memory_space<vmem>> -> memref<128xi32, #tpu.memory_space<vmem>>
        %dma_wait3A_354 = arith.constant 0 : i32
        %dma_wait3A_355 = arith.constant 0 : i32
        %dma_wait3A_356 = tpu.memref_slice %arg5[%dma_wait3A_354, %dma_wait3A_355] : memref<10000x128xf32, #tpu.memory_space<vmem_shared>> -> memref<10000x128xf32, #tpu.memory_space<vmem_shared>>
        tpu.wait_indirect_dma semaphore(%run_scoped3A_336 : memref<!tpu.dma_semaphore, #tpu.memory_space<semaphore_mem>>) src(%dma_wait3A_350 : memref<128x128xf32, #tpu.memory_space<vmem>>) dst(%dma_wait3A_356 : memref<10000x128xf32, #tpu.memory_space<vmem_shared>>)
        tpu.yield
      }) : () -> ()
    } else {
    }
    %barrier3A_318 = arith.constant 0 : index
    tpu.barrier barrier_id(%barrier3A_318)
    %mul3A_319 = arith.constant 624 : i32
    %mul3A_320 = arith.muli %arg1, %mul3A_319 : i32
    %mul3A_321 = arith.constant 624 : i32
    %mul3A_322 = arith.muli %arg1, %mul3A_321 : i32
    "tpu.region"() ({
      %run_scoped3A_328 = tpu.sem_alloc : memref<!tpu.dma_semaphore, #tpu.memory_space<semaphore_mem>>
      %dma_start3A_329 = arith.constant 0 : i32
      %dma_start3A_330 = tpu.memref_slice %arg4[%arg0, %mul3A_322, %dma_start3A_329] : memref<2x10000x128xf32, #tpu.memory_space<hbm>> -> memref<1x624x128xf32, #tpu.memory_space<hbm>>
      %dma_start3A_331 = tpu.memref_squeeze %dma_start3A_330 : memref<1x624x128xf32, #tpu.memory_space<hbm>> -> memref<624x128xf32, #tpu.memory_space<hbm>>
      %dma_start3A_332 = arith.constant 0 : i32
      %dma_start3A_333 = tpu.memref_slice %arg5[%mul3A_320, %dma_start3A_332] : memref<10000x128xf32, #tpu.memory_space<vmem_shared>> -> memref<624x128xf32, #tpu.memory_space<vmem_shared>>
      tpu.enqueue_dma source(%dma_start3A_333 : memref<624x128xf32, #tpu.memory_space<vmem_shared>>) target(%dma_start3A_331 : memref<624x128xf32, #tpu.memory_space<hbm>>) target_semaphore(%run_scoped3A_328 : memref<!tpu.dma_semaphore, #tpu.memory_space<semaphore_mem>>)
      %dma_wait3A_334 = arith.constant 0 : i32
      %dma_wait3A_335 = tpu.memref_slice %arg4[%arg0, %mul3A_322, %dma_wait3A_334] : memref<2x10000x128xf32, #tpu.memory_space<hbm>> -> memref<1x624x128xf32, #tpu.memory_space<hbm>>
      %dma_wait3A_336 = tpu.memref_squeeze %dma_wait3A_335 : memref<1x624x128xf32, #tpu.memory_space<hbm>> -> memref<624x128xf32, #tpu.memory_space<hbm>>
      %dma_wait3A_337 = arith.constant 0 : i32
      %dma_wait3A_338 = tpu.memref_slice %arg5[%mul3A_320, %dma_wait3A_337] : memref<10000x128xf32, #tpu.memory_space<vmem_shared>> -> memref<624x128xf32, #tpu.memory_space<vmem_shared>>
      tpu.wait_dma2 semaphore(%run_scoped3A_328 : memref<!tpu.dma_semaphore, #tpu.memory_space<semaphore_mem>>) src(%dma_wait3A_338 : memref<624x128xf32, #tpu.memory_space<vmem_shared>>) dst(%dma_wait3A_336 : memref<624x128xf32, #tpu.memory_space<hbm>>)
      tpu.yield
    }) : () -> ()
    %lt3A_323 = arith.constant 2 : i32
    %lt3A_324 = arith.cmpi slt, %arg1, %lt3A_323 : i32
    %convert_element_type3A_325 = arith.extui %lt3A_324 : i1 to i32
    %cond3A_326 = arith.constant 0 : i32
    %cond3A_327 = arith.cmpi ne, %convert_element_type3A_325, %cond3A_326 : i32
    scf.if %cond3A_327 {
      %mul3A_328 = arith.constant 8 : i32
      %mul3A_329 = arith.muli %arg1, %mul3A_328 : i32
      %add3A_330 = arith.constant 9984 : i32
      %add3A_331 = arith.addi %add3A_330, %mul3A_329 : i32
      %mul3A_332 = arith.constant 8 : i32
      %mul3A_333 = arith.muli %arg1, %mul3A_332 : i32
      %add3A_334 = arith.constant 9984 : i32
      %add3A_335 = arith.addi %add3A_334, %mul3A_333 : i32
      "tpu.region"() ({
        %run_scoped3A_336 = tpu.sem_alloc : memref<!tpu.dma_semaphore, #tpu.memory_space<semaphore_mem>>
        %dma_start3A_337 = arith.constant 0 : i32
        %dma_start3A_338 = tpu.memref_slice %arg4[%arg0, %add3A_335, %dma_start3A_337] : memref<2x10000x128xf32, #tpu.memory_space<hbm>> -> memref<1x8x128xf32, #tpu.memory_space<hbm>>
        %dma_start3A_339 = tpu.memref_squeeze %dma_start3A_338 : memref<1x8x128xf32, #tpu.memory_space<hbm>> -> memref<8x128xf32, #tpu.memory_space<hbm>>
        %dma_start3A_340 = arith.constant 0 : i32
        %dma_start3A_341 = tpu.memref_slice %arg5[%add3A_331, %dma_start3A_340] : memref<10000x128xf32, #tpu.memory_space<vmem_shared>> -> memref<8x128xf32, #tpu.memory_space<vmem_shared>>
        tpu.enqueue_dma source(%dma_start3A_341 : memref<8x128xf32, #tpu.memory_space<vmem_shared>>) target(%dma_start3A_339 : memref<8x128xf32, #tpu.memory_space<hbm>>) target_semaphore(%run_scoped3A_336 : memref<!tpu.dma_semaphore, #tpu.memory_space<semaphore_mem>>)
        %dma_wait3A_342 = arith.constant 0 : i32
        %dma_wait3A_343 = tpu.memref_slice %arg4[%arg0, %add3A_335, %dma_wait3A_342] : memref<2x10000x128xf32, #tpu.memory_space<hbm>> -> memref<1x8x128xf32, #tpu.memory_space<hbm>>
        %dma_wait3A_344 = tpu.memref_squeeze %dma_wait3A_343 : memref<1x8x128xf32, #tpu.memory_space<hbm>> -> memref<8x128xf32, #tpu.memory_space<hbm>>
        %dma_wait3A_345 = arith.constant 0 : i32
        %dma_wait3A_346 = tpu.memref_slice %arg5[%add3A_331, %dma_wait3A_345] : memref<10000x128xf32, #tpu.memory_space<vmem_shared>> -> memref<8x128xf32, #tpu.memory_space<vmem_shared>>
        tpu.wait_dma2 semaphore(%run_scoped3A_336 : memref<!tpu.dma_semaphore, #tpu.memory_space<semaphore_mem>>) src(%dma_wait3A_346 : memref<8x128xf32, #tpu.memory_space<vmem_shared>>) dst(%dma_wait3A_344 : memref<8x128xf32, #tpu.memory_space<hbm>>)
        tpu.yield
      }) : () -> ()
    } else {
    }
    return
  }
}

module attributes {stable_mosaic.version = 14 : i64} {
  func.func @_add_body(%arg0: i32, %arg1: memref<2x2000x128xf32, #tpu.memory_space<vmem>>, %arg2: memref<2000x128xf32, #tpu.memory_space<vmem>>) attributes {dimension_semantics = [#tpu.dimension_semantics<arbitrary>], iteration_bounds = array<i64: 5>, scalar_prefetch = 0 : i64, scratch_operands = 0 : i64, tpu.core_type = #tpu.core_type<tc>, window_params = [{transform_indices = @transform_0, window_bounds = array<i64: 2, 2000, 128>}, {transform_indices = @transform_1, window_bounds = array<i64: 2000, 128>}]} {
    %get3A = arith.constant 0 : index
    %get3A_0 = arith.constant 0 : index
    %get3A_1 = arith.constant 0 : index
    %get3A_2 = vector.load %arg1[%get3A, %get3A_0, %get3A_1] : memref<2x2000x128xf32, #tpu.memory_space<vmem>>, vector<1x2000x128xf32>
    %get3A_3 = vector.shape_cast %get3A_2 : vector<1x2000x128xf32> to vector<2000x128xf32>
    %get3A_4 = arith.constant 1 : index
    %get3A_5 = arith.constant 0 : index
    %get3A_6 = arith.constant 0 : index
    %get3A_7 = vector.load %arg1[%get3A_4, %get3A_5, %get3A_6] : memref<2x2000x128xf32, #tpu.memory_space<vmem>>, vector<1x2000x128xf32>
    %get3A_8 = vector.shape_cast %get3A_7 : vector<1x2000x128xf32> to vector<2000x128xf32>
    %add3A = arith.addf %get3A_3, %get3A_8 : vector<2000x128xf32>
    %swap3A = arith.constant 0 : index
    %swap3A_9 = arith.constant 0 : index
    %swap3A_10 = vector.load %arg2[%swap3A, %swap3A_9] : memref<2000x128xf32, #tpu.memory_space<vmem>>, vector<2000x128xf32>
    tpu.vector_store %arg2[%swap3A, %swap3A_9], %add3A {strides = array<i32>} : memref<2000x128xf32, #tpu.memory_space<vmem>>, vector<2000x128xf32>,
    return
  }
  func.func @transform_0(%arg0: i32) -> (i32, i32, i32) {
    %c0_i32 = arith.constant 0 : i32
    %c0_i32_0 = arith.constant 0 : i32
    %c0_i32_1 = arith.constant 0 : i32
    return %c0_i32, %arg0, %c0_i32_0 : i32, i32, i32
  }
  func.func @transform_1(%arg0: i32) -> (i32, i32) {
    %c0_i32 = arith.constant 0 : i32
    %c0_i32_0 = arith.constant 0 : i32
    return %arg0, %c0_i32 : i32, i32
  }
}

</mosaic_0001>

<sc_bundles>
// kernel: kernel.4.cloned.1.call-start
scs
__scs_entry_jumppad:
0x0: {  	(pc) =	sbr.rel $0x88, $3  }
0x1: {  	(tag) =	ssettag $0x0;
	lr =	simm.s32 $0x1  }
0x2: {  	[smem:$0x3F9F] =	sst lr;
	_ =	strace $0xD0000000  }
0x3: {  	_ = 	snop  }
0x4: {  	_ = 	snop  }
0x5: {  	_ = 	snop  }
0x6: {  	_ = 	snop  }
0x7: {  	_ = 	snop  }
__scs_overlays_trampoline_lowered:
0x8: {  	[smem:$0x3FAE] =	sst s0  }
0x9: {  	[smem:$0x3FAF] =	sst s1  }
0xa: {  	[smem:$0x3FB0] =	sst s2  }
0xb: {  	[smem:$0x3FB1] =	sst s3  }
0xc: {  	[smem:$0x3FB2] =	sst s4  }
0xd: {  	[smem:$0x3FB3] =	sst s5  }
0xe: {  	[smem:$0x3FB4] =	sst s6  }
0xf: {  	[smem:$0x3FB5] =	sst s7  }
0x10: {  	[smem:$0x3FB6] =	sst s8  }
0x11: {  	[smem:$0x3FB7] =	sst s9;
	s0 =	simm.s32 @!p0 $0x0  }
0x12: {  	s1 =	sld [smem:$0x3F9D];
	s0 =	simm.s32 @p0 $0x1  }
0x13: {  	[smem:$0x3FB8] =	sst s0;
	s0 =	simm.s32 @!p1 $0x0  }
0x14: {  	s2 =	sld [smem:$0x3F9C];
	s0 =	simm.s32 @p1 $0x1  }
0x15: {  	[smem:$0x3FB9] =	sst s0;
	s0 =	simm.s32 @!p2 $0x0  }
0x16: {  	s3 =	sld [smem:$0x3FDB];
	s0 =	simm.s32 @p2 $0x1  }
0x17: {  	s4 =	simm.s32 $0x1BF5;
	[smem:$0x3FBB] =	sst s0  }
0x18: {  	s0 =	sld [smem:$0x3F9E];
	_ =	swait.ge [sflag:s4], $0x0  }
0x19: {  	s7 =	sld [smem:$0x3F9F]  }
0x1a: {  	s8 =	sadd.s32 $0xFFFFE003, lr  }
0x1b: {  	s9 =	sadd.s32 $0xFFFFFEF7, lr;
	s5 =	simm.s32 $0xFFFFFFFF;
	p2 =	slt.u32 s8, $0xFFFFF086  }
0x1c: {  	p1 =	slt.u32 s9, $0xF7A;
	s5 =	simm.s32 @!p2 $0x0  }
0x1d: {  	s5 =	simm.s32 @p1 $0x1;
	p0 =	seq.s32 s7, s2  }
0x1e: {  	s7 =	smul.u32 @!p0 $0xF7A, s2;
	p2 =	seq.s32 @!p0 s5, $0x0  }
0x1f: {  	s9 =	smul.u32 $0xF7A, s1;
	s8 =	simm.s32 @!p0 $0x1BF5;
	p2 =	por !p2, p0  }
0x20: {  	[sflag:s8] =	ssyncset.s32 @!p0 $0xFFFFF086;
	s6 =	sadd.s32 @!p0 s3, s7;
	s7 =	simm.s32 @!p0 $0x108  }
0x21: {  	s3 =	sadd.s32 s3, s9;
	s6 =	sadd.s32 @!p0 $0x88, s6;
	s7 =	simm.s32 @p2 $0x1082  }
0x22: {  	[simem:s7], [sflag:s8] =	dma.local @!p0 [hbm:s6], $0xF7A  }
0x23: {  	s9 =	sor.u32 $0xD0000000, s2;
	s6 =	simm.s32 $0x108;
	_ =	swait.ge @!p0 [sflag:s8], $0x0  }
0x24: {  	s3 =	sadd.s32 $0x88, s3;
	s6 =	simm.s32 @!p1 $0x1082;
	[sflag:s4] =	ssyncset.s32 $0xFFFFF086  }
0x25: {  	[simem:s6], [sflag:s4] =	dma.local [hbm:s3], $0xF7A  }
0x26: {  	[smem:$0x3F9F] =	sst s1;
	(tag) =	ssettag s2;
	_ =	strace s9  }
0x27: {  	s1 =	sld [smem:$0x3FAF]  }
0x28: {  	s2 =	sld [smem:$0x3FB0]  }
0x29: {  	s4 =	sld [smem:$0x3FB2]  }
0x2a: {  	p0 =	seq.s32 s5, $0x0;
	s5 =	sld [smem:$0x3FB3]  }
0x2b: {  	s6 =	sld [smem:$0x3FB4]  }
0x2c: {  	s7 =	sld [smem:$0x3FB5]  }
0x2d: {  	s3 =	simm.s32 $0x108;
	s8 =	sld [smem:$0x3FB6]  }
0x2e: {  	s3 =	simm.s32 @!p0 $0x1082;
	s9 =	sld [smem:$0x3FB7]  }
0x2f: {  	lr =	sadd.s32 s0, s3;
	s0 =	sld [smem:$0x3FAE]  }
0x30: {  	s3 =	sld [smem:$0x3FB1]  }
0x31: {  	[smem:$0x3FBA] =	sst s10  }
0x32: {  	s10 =	sld [smem:$0x3FB8];
	_ =	sdelay $0x3  }
0x33: {  	p0 =	seq.s32 s10, $0x1;
	s10 =	sld [smem:$0x3FBA];
	_ =	sdelay $0x3  }
0x34: {  	[smem:$0x3FBA] =	sst s10  }
0x35: {  	s10 =	sld [smem:$0x3FB9];
	_ =	sdelay $0x3  }
0x36: {  	p1 =	seq.s32 s10, $0x1;
	s10 =	sld [smem:$0x3FBA];
	_ =	sdelay $0x3  }
0x37: {  	[smem:$0x3FBA] =	sst s10  }
0x38: {  	s10 =	sld [smem:$0x3FBB]  }
0x39: {  	_ = 	snop;
	(pc) =	sbr.ind lr, $3  }
0x3a: {  	_ = 	snop  }
0x3b: {  	_ = 	snop  }
0x3c: {  	p2 =	seq.s32 s10, $0x1;
	s10 =	sld [smem:$0x3FBA]  }
0x3d: {  	_ =	shalt  }
0x3e: {  	_ =	shalt  }
0x3f: {  	_ =	shalt  }
0x40: {  	_ =	shalt  }
0x41: {  	_ =	shalt  }
0x42: {  	_ =	shalt  }
0x43: {  	_ =	shalt  }
0x44: {  	_ =	shalt  }
0x45: {  	_ =	shalt  }
0x46: {  	_ =	shalt  }
0x47: {  	_ =	shalt  }
0x48: {  	_ =	shalt  }
0x49: {  	_ =	shalt  }
0x4a: {  	_ =	shalt  }
0x4b: {  	_ =	shalt  }
0x4c: {  	_ =	shalt  }
0x4d: {  	_ =	shalt  }
0x4e: {  	_ =	shalt  }
0x4f: {  	_ =	shalt  }
0x50: {  	_ =	shalt  }
0x51: {  	_ =	shalt  }
0x52: {  	_ =	shalt  }
0x53: {  	_ =	shalt  }
0x54: {  	_ =	shalt  }
0x55: {  	_ =	shalt  }
0x56: {  	_ =	shalt  }
0x57: {  	_ =	shalt  }
0x58: {  	_ =	shalt  }
0x59: {  	_ =	shalt  }
0x5a: {  	_ =	shalt  }
0x5b: {  	_ =	shalt  }
0x5c: {  	_ =	shalt  }
0x5d: {  	_ =	shalt  }
0x5e: {  	_ =	shalt  }
0x5f: {  	_ =	shalt  }
0x60: {  	_ =	shalt  }
0x61: {  	_ =	shalt  }
0x62: {  	_ =	shalt  }
0x63: {  	_ =	shalt  }
0x64: {  	_ =	shalt  }
0x65: {  	_ =	shalt  }
0x66: {  	_ =	shalt  }
0x67: {  	_ =	shalt  }
0x68: {  	_ =	shalt  }
0x69: {  	_ =	shalt  }
0x6a: {  	_ =	shalt  }
0x6b: {  	_ =	shalt  }
0x6c: {  	_ =	shalt  }
0x6d: {  	_ =	shalt  }
0x6e: {  	_ =	shalt  }
0x6f: {  	_ =	shalt  }
0x70: {  	_ =	shalt  }
0x71: {  	_ =	shalt  }
0x72: {  	_ =	shalt  }
0x73: {  	_ =	shalt  }
0x74: {  	_ =	shalt  }
0x75: {  	_ =	shalt  }
0x76: {  	_ =	shalt  }
0x77: {  	_ =	shalt  }
0x78: {  	_ =	shalt  }
0x79: {  	_ =	shalt  }
0x7a: {  	_ =	shalt  }
0x7b: {  	_ =	shalt  }
0x7c: {  	_ =	shalt  }
0x7d: {  	_ =	shalt  }
0x7e: {  	_ =	shalt  }
0x7f: {  	_ =	shalt  }
0x80: {  	_ =	shalt  }
0x81: {  	_ =	shalt  }
0x82: {  	_ =	shalt  }
0x83: {  	_ =	shalt  }
0x84: {  	_ =	shalt  }
0x85: {  	_ =	shalt  }
0x86: {  	_ =	shalt  }
0x87: {  	_ =	shalt  }
.Lfunc_end0:
.L_simem_size_0:
called_computation_lowered:
.L_overlay_start_0:
0x88: {  	s2 =	sld [smem:$0x3FD9]  }
0x89: {  	s3 =	sld [smem:$0x3FFE];
	_ =	sdelay $0x1  }
0x8a: {  	s1 =	srdreg.scid  }
0x8b: {  	s0 =	sand.u32 $0x1, s1  }
0x8c: {  	s17 =	sshll.u32 s0, $0xA;
	s2 =	sadd.s32 s3, s2  }
0x8d: {  	s2 =	sadd.s32 s2, s17  }
0x8e: {  	[smem:$0x3FC6] =	sst s2  }
0x8f: {  	_ = 	snop  }
0x90: {  	s2 =	sld [smem:$0x3FC9]  }
0x91: {  	s18 =	sld [smem:$0x3FC8];
	(tm) =	ssettm $0x1  }
0x92: {  	s4 =	sld [smem:$0x3FFB];
	_ =	sdelay $0x3  }
0x93: {  	_ =	strace s4  }
0x94: {  	s4 =	sld [smem:$0x3FFC];
	_ =	sdelay $0x3  }
0x95: {  	_ =	strace s4  }
0x96: {  	s4 =	sld [smem:$0x3FFD];
	_ =	sdelay $0x3  }
0x97: {  	_ =	strace s4  }
0x98: {  	_ =	strace $0x8FFFFFFF  }
0x99: {  	s19 =	sld [smem:$0x3FDB];
	_ =	sdelay $0x1  }
0x9a: {  	s5 =	simm.s32 $_scs_section_size  }
0x9b: {  	s6 =	simm.s32 $_size__tile_overlayer_lowered;
	s7 =	simm.s32 $_tile_overlayer_lowered  }
0x9c: {  	s22 =	simm.s32 $0x1BFF;
	s21 =	sshll.u32 s7, $0x1;
	s4 =	sadd.s32 s5, s19  }
0x9d: {  	s8 =	simm.s32 $0x0;
	s20 =	sshll.u32 s6, $0x1;
	s6 =	sadd.s32 s21, s4  }
0x9e: {  	[timem:s8], [sflag:s22] =	dma.local [hbm:s6], s20  }
0x9f: {  	_ =	swait.ge [sflag:s22], s20  }
0xa0: {  	s5 =	ssub.s32 $0x0, s20;
	[sflag:s22] =	ssyncset.done $0x0  }
0xa1: {  	[sflag:s22] =	ssyncadd.s32 s5;
	_ =	sdelay $0x1  }
0xa2: {  	s23 =	simm.s32 $0x1B8B  }
0xa3: {  	_ =	swait.ge [sflag:s23], $0x1  }
0xa4: {  	[sflag:s23] =	ssyncset.done $0x0  }
0xa5: {  	s25 =	simm.s32 $0x1B8E;
	s24 =	sld [smem:$0x3FFE];
	[sflag:s23] =	ssyncadd.s32 $0xFFFFFFFF  }
0xa6: {  	s26 =	simm.s32 $execute0_lowered;
	[smem:$0x3FD2] =	sst s25  }
0xa7: {  	s6 =	sshll.u32 s26, $0x1;
	_ =	strace $0x80000046;
	[dreg:$0x1] =	wrdreg $0xFFFFFFFF  }
0xa8: {  	s28 =	simm.s32 $_size_execute0_lowered;
	s4 =	sadd.s32 s4, s6;
	[dreg:$0x0] =	wrdreg $0x0  }
0xa9: {  	s6 =	sshll.u32 s28, $0x1;
	[dreg:$0x2] =	wrdreg s4  }
0xaa: {  	[dreg:$0x3] =	wrdreg s6  }
0xab: {  	[dreg:$0x4] =	wrdreg $0xC0  }
0xac: {  	_ =	task [dreg:s8], $0x5FFFF  }
0xad: {  	[dreg:$0x1] =	wrdreg $0xFFFFFFFF  }
0xae: {  	[dreg:$0x0] =	wrdreg $0x60  }
0xaf: {  	[dreg:$0x2] =	wrdreg s2  }
0xb0: {  	[dreg:$0x3] =	wrdreg s18  }
0xb1: {  	[dreg:$0x4] =	wrdreg s24  }
0xb2: {  	[dreg:$0x5] =	wrdreg $0x0  }
0xb3: {  	[dreg:$0x6] =	wrdreg $0x9  }
0xb4: {  	_ =	task.clear_ibuf [dreg:s8], $0x7FFFF;
	_ =	strace $0x90000046  }
0xb5: {  	s29 =	simm.s32 $0x9;
	_ =	strace $0x80000048  }
0xb6: {  	_ =	swait.ge [sflag:s29], $0x1  }
0xb7: {  	[sflag:s29] =	ssyncadd.s32 $0xFFFFFFFF  }
0xb8: {  	_ =	strace $0x90000048  }
0xb9: {  	_ =	sfence  }
0xba: {  	s30 =	sld [smem:$0x0];
	_ =	sdelay $0x2  }
0xbb: {  	s31 =	sshll.u32 s1, $0xD;
	s1 =	sshrl.u32 s1, $0x2  }
0xbc: {  	s3 =	sand.u32 $0x4000, s31;
	s1 =	sadd.s32 s1, s30  }
0xbd: {  	s0 =	sor.u32 s3, s0;
	s1 =	sshll.u32 s1, $0x11  }
0xbe: {  	s0 =	sor.u32 s1, s0  }
0xbf: {  	s0 =	sadd.s32 $0x8F2B, s0  }
0xc0: {  	[sflag:s0] =	ssyncadd.remote.s32 $0x1  }
0xc1: {  	_ =	sfence.sel $0xFFFF  }
0xc2: {  	[dreg:$0x0] =	wrdreg $0xFFFFFFFF;
	(pc) =	sbr.abs _section_cstart, $3  }
0xc3: {  	[dreg:$0x1] =	wrdreg $0xFFFFFFFF  }
0xc4: {  	_ =	task.clear_ibuf [dreg:s8], $0x2FFFF;
	_ =	strace $0x9FFFFFFF  }
0xc5: {  	(tm) =	ssettm $0x7FFFFFFF  }
tec
execute0_lowered:
.L_overlay_start_1:
0x0: {  	(tag) =	ssettag $0x1  }
0x1: {  	s0 =	rddreg [dreg:$0x0]  }
0x2: {  	s1 =	rddreg [dreg:$0x1]  }
0x3: {  	s4 =	rddreg [dreg:$0x2]  }
0x4: {  	s2 =	rddreg [dreg:$0x3];
	s3 =	simm.s32 $0x0;
	s5 =	srdreg.scid  }
0x5: {  	s13 =	stileid.u32;
	s28 =	simm.s32 $0x13900;
	s29 =	simm.s32 $0x17A80  }
0x6: {  	s30 =	simm.s32 $0x13980;
	s31 =	simm.s32 $0x1BA80;
	[smem:$0x7FF] =	sst s3  }
0x7: {  	s5 =	sand.u32 $0x1, s5;
	s6 =	smul.u32 $0x4E000, s13;
	s8 =	sadd.s32 $0x600, s4  }
0x8: {  	s9 =	sshll.u32 s13, $0x1;
	p0 =	sgt.u32 s13, $0x1;
	_ =	strace $0x80000047  }
0x9: {  	s7 =	ssub.s32 $0x2, s5;
	s22 =	sor.u32 s5, s9;
	s9 =	sshll.u32 s13, $0xC  }
0xa: {  	s17 =	smul.u32 $0x138800, s5;
	s21 =	sshrl.u32 s7, $0x1;
	s6 =	sshrl.u32 s6, $0x2  }
0xb: {  	s25 =	sshrl.u32 s9, $0x2;
	s26 =	sshll.u32 s22, $0x7;
	s14 =	sshll.u32 s22, $0x4  }
0xc: {  	s7 =	ssub.s32 s7, s21;
	s4 =	sadd.s32 s6, s2;
	s12 =	sor.u32 $0x1000, s26  }
0xd: {  	s6 =	sshll.u32 s22, $0xB;
	s19 =	sor.u32 $0x2000, s26;
	s23 =	sadd.s32 $0x4000, s4  }
0xe: {  	s10 =	sadd.s32 $0x8000, s4;
	s24 =	sadd.s32 $0xC000, s4;
	[dreg:$0x5] =	wrdreg s23  }
0xf: {  	s11 =	sadd.s32 $0x10000, s4;
	s15 =	sshrl.u32 s12, $0x3;
	[dreg:$0x6] =	wrdreg s10  }
0x10: {  	s6 =	sadd.s32 s0, s6;
	s18 =	sshll.u32 s12, $0x4;
	[dreg:$0x7] =	wrdreg s24  }
0x11: {  	s20 =	sshrl.u32 s19, $0x3;
	s12 =	sshll.u32 s19, $0x4;
	[dreg:$0x8] =	wrdreg s11  }
0x12: {  	s10 =	sadd.s32 s25, s2;
	[dreg:$0xb] =	wrdreg s6;
	s16 =	sadd.s32 s1, s15  }
0x13: {  	s15 =	smul.u32 $0x13800, s13;
	s11 =	sor.u32 $0x4E000, s26;
	s24 =	sshll.u32 s13, $0x5  }
0x14: {  	s25 =	sshll.u32 s5, $0xB;
	s5 =	sshll.u32 s5, $0x4;
	s10 =	sadd.s32 $0x138000, s10  }
0x15: {  	[dreg:$0xc] =	wrdreg s16;
	s16 =	sshll.u32 s13, $0xA;
	s22 =	sshrl.u32 s11, $0x3  }
0x16: {  	s23 =	sshll.u32 s11, $0x4;
	s11 =	simm.s32 $0x0;
	[dreg:$0x9] =	wrdreg s10  }
0x17: {  	s10 =	sadd.s32 s1, s14;
	s21 =	sadd.s32 s15, s17;
	s19 =	sadd.s32 s0, s23  }
0x18: {  	s23 =	simm.s32 $0x13A80;
	[dreg:$0xa] =	wrdreg s10;
	s10 =	sadd.s32 s0, s18  }
0x19: {  	s18 =	sadd.s32 s1, s22;
	[dreg:$0xd] =	wrdreg s10;
	s10 =	sadd.s32 s1, s20  }
0x1a: {  	s20 =	sor.u32 $0x138000, s16;
	s1 =	sadd.s32 s24, s1;
	s24 =	simm.s32 $0x7  }
0x1b: {  	s16 =	stileid.u32;
	[dreg:$0xe] =	wrdreg s10;
	s10 =	sshrl.u32 s21, $0x3  }
0x1c: {  	s6 =	sadd.s32 s17, s20;
	s17 =	sadd.s32 s0, s12;
	s0 =	sadd.s32 s9, s0  }
0x1d: {  	s26 =	sadd.s32 s5, s1;
	s5 =	simm.s32 $0x80;
	s9 =	simm.s32 $0x3  }
0x1e: {  	s15 =	sadd.s32 s8, s10;
	s6 =	sshrl.u32 s6, $0x3;
	s21 =	sadd.s32 s25, s0  }
0x1f: {  	s22 =	sadd.s32 $0xA00, s26;
	s26 =	simm.s32 $0x13880;
	s0 =	simm.s32 $0x1  }
0x20: {  	s10 =	simm.s32 $0x6;
	s6 =	sadd.s32 s8, s6;
	s8 =	simm.s32 $0x5  }
0x21: {  	[dreg:$0xf] =	wrdreg s6;
	s6 =	sadd.s32 s20, s2;
	s20 =	smax.u32 s7, $0x1  }
0x22: {  	v0 =	vimm.f32 $0.0e+00;
	s7 =	simm.s32 $0x2;
	s25 =	sshrl.u32 @!p0 s6, $0x3;
	s6 =	simm.s32 $0x4  }
.LBB2_1:
0x23: {  	s1 =	simm.s32 $0x0;
	s12 =	simm.s32 $0x200  }
.LBB2_2:
0x24: {  	p1 =	sne.s32 s12, $0xFE00;
	[tilespmem:s1+$0x13AF0] =	vst v0  }
0x25: {  	[tilespmem:s1+$0x13A80] =	vst v0  }
0x26: {  	[tilespmem:s1+$0x13A90] =	vst v0  }
.Ltmp0:
0x27: {  	[tilespmem:s1+$0x13AA0] =	vst v0;
	(pc) =	sbr.rel @p1 .LBB2_2-.Ltmp0, $4  }
0x28: {  	[tilespmem:s1+$0x13AB0] =	vst v0  }
0x29: {  	[tilespmem:s1+$0x13AC0] =	vst v0  }
0x2a: {  	[tilespmem:s1+$0x13AD0] =	vst v0  }
0x2b: {  	[tilespmem:s1+$0x13AE0] =	vst v0;
	s1 =	sshra.s32 s12, $0x2;
	s12 =	sadd.s32 $0x200, s12  }
0x2c: {  	[tilespmem:s1+$0x13AF0] =	vst v0  }
0x2d: {  	[tilespmem:s1+$0x13A80] =	vst v0  }
0x2e: {  	[tilespmem:s1+$0x13A90] =	vst v0  }
0x2f: {  	[tilespmem:s1+$0x13AA0] =	vst v0  }
0x30: {  	[tilespmem:s1+$0x13AB0] =	vst v0  }
0x31: {  	[tilespmem:s1+$0x13AC0] =	vst v0  }
0x32: {  	[tilespmem:s1+$0x13AD0] =	vst v0  }
0x33: {  	[tilespmem:s1+$0x13AE0] =	vst v0  }
0x34: {  	[spmem:s4] =	stream.linear.scatter [tilespmem:s23], [sflag:$0x7], $0x4000, $0x38;
	[tilespmem:$0x1FA80] =	vst v63  }
0x35: {  	_ =	swait.ge [sflag:s24], $0x4000  }
0x36: {  	[sflag:s24] =	ssyncset.done $0x0  }
0x37: {  	s12 =	rddreg [dreg:$0x5];
	[sflag:s24] =	ssyncadd.s32 $0xFFFFC000  }
0x38: {  	[spmem:s12] =	stream.linear.scatter [tilespmem:s23], [sflag:$0x7], $0x4000, $0x38;
	[tilespmem:$0x1FA80] =	vst v63  }
0x39: {  	_ =	swait.ge [sflag:s24], $0x4000  }
0x3a: {  	[sflag:s24] =	ssyncset.done $0x0  }
0x3b: {  	s13 =	rddreg [dreg:$0x6];
	[sflag:s24] =	ssyncadd.s32 $0xFFFFC000  }
0x3c: {  	[spmem:s13] =	stream.linear.scatter [tilespmem:s23], [sflag:$0x7], $0x4000, $0x38;
	[tilespmem:$0x1FA80] =	vst v63  }
0x3d: {  	_ =	swait.ge [sflag:s24], $0x4000  }
0x3e: {  	[sflag:s24] =	ssyncset.done $0x0  }
0x3f: {  	s14 =	rddreg [dreg:$0x7];
	[sflag:s24] =	ssyncadd.s32 $0xFFFFC000  }
0x40: {  	[spmem:s14] =	stream.linear.scatter [tilespmem:s23], [sflag:$0x7], $0x4000, $0x38;
	[tilespmem:$0x1FA80] =	vst v63  }
0x41: {  	_ =	swait.ge [sflag:s24], $0x4000  }
0x42: {  	[sflag:s24] =	ssyncset.done $0x0  }
0x43: {  	s12 =	rddreg [dreg:$0x8];
	[sflag:s24] =	ssyncadd.s32 $0xFFFFC000  }
0x44: {  	[spmem:s12] =	stream.linear.scatter [tilespmem:s23], [sflag:$0x7], $0x3800, $0x38;
	[tilespmem:$0x1FA80] =	vst v63  }
0x45: {  	_ =	swait.ge [sflag:s24], $0x3800  }
0x46: {  	[sflag:s24] =	ssyncset.done $0x0  }
0x47: {  	s1 =	simm.s32 @!p0 $0x13A80;
	s12 =	rddreg [dreg:$0x9];
	[sflag:s24] =	ssyncadd.s32 $0xFFFFC800  }
0x48: {  	[spmem:s12] =	stream.linear.scatter @!p0 [tilespmem:s1], [sflag:$0x7], $0x400, $0x38;
	[tilespmem:$0x1FA80] =	vst v63  }
0x49: {  	s1 =	simm.s32 @!p0 $0x7  }
0x4a: {  	_ =	swait.ge @!p0 [sflag:s1], $0x400  }
0x4b: {  	[sflag:s1] =	ssyncset.done @!p0 $0x0  }
0x4c: {  	[sflag:s1] =	ssyncadd.s32 @!p0 $0xFFFFFC00  }
0x4d: {  	[bflag:$0x0] =	sbarrier.arrive $0xFFFF  }
0x4e: {  	s1 =	simm.s32 $0x0;
	s13 =	rddreg [dreg:$0xa]  }
0x4f: {  	[tilespmem:s26], [sflag:$0x1] =	stream.linear.gather [hbm4b:s13+s1], $0x80, $0x38;
	[tilespmem:$0x1FA80] =	vst v63  }
0x50: {  	s14 =	rddreg [dreg:$0xb]  }
0x51: {  	[tilespmem:s23], [sflag:$0x1] =	stream.linear.gather [hbm4b:s14+s1], $0x4000, $0x38;
	[tilespmem:$0x1FA80] =	vst v63  }
0x52: {  	s13 =	rddreg [dreg:$0xc]  }
0x53: {  	[tilespmem:s28], [sflag:$0x2] =	stream.linear.gather [hbm4b:s13+s1], $0x80, $0x38;
	[tilespmem:$0x1FA80] =	vst v63  }
0x54: {  	s14 =	rddreg [dreg:$0xd]  }
0x55: {  	[tilespmem:s29], [sflag:$0x2] =	stream.linear.gather [hbm4b:s14+s1], $0x4000, $0x38;
	[tilespmem:$0x1FA80] =	vst v63  }
0x56: {  	s13 =	rddreg [dreg:$0xe]  }
0x57: {  	[tilespmem:s30], [sflag:$0x3] =	stream.linear.gather [hbm4b:s13+s1], $0x80, $0x38;
	[tilespmem:$0x1FA80] =	vst v63  }
0x58: {  	_ = 	snop  }
0x59: {  	[tilespmem:s31], [sflag:$0x3] =	stream.linear.gather [hbm4b:s17+s1], $0x4000, $0x38;
	[tilespmem:$0x1FA80] =	vst v63  }
0x5a: {  	_ =	swait.ge [sflag:s0], $0x80  }
0x5b: {  	[sflag:s0] =	ssyncset.done $0x0  }
0x5c: {  	[sflag:s0] =	ssyncadd.s32 $0xFFFFFF80  }
0x5d: {  	_ =	swait.ge [sflag:s0], $0x4000  }
0x5e: {  	[sflag:s0] =	ssyncset.done $0x0  }
0x5f: {  	[sflag:s0] =	ssyncadd.s32 $0xFFFFC000  }
0x60: {  	[spmem:s2] =	stream.indirect.scatter.add.f32 [tilespmem:s23], [sflag:$0x4], $0x80, s26, s5, $0xb8;
	[tilespmem:$0x1FA80] =	vst v63  }
0x61: {  	_ =	swait.ge [sflag:s6], $0x4000  }
0x62: {  	[sflag:s6] =	ssyncset.done $0x0  }
0x63: {  	s12 =	sadd.s32 $0x0, s21;
	s14 =	sadd.s32 $0xFFFFFC00, s22;
	[sflag:s6] =	ssyncadd.s32 $0xFFFFC000  }
0x64: {  	[tilespmem:s26], [sflag:$0x1] =	stream.linear.gather [hbm4b:s14+s3], $0x80, $0x38;
	[tilespmem:$0x1FA80] =	vst v63  }
0x65: {  	s13 =	sadd.s32 $0x30000, s12  }
0x66: {  	[tilespmem:s23], [sflag:$0x1] =	stream.linear.gather [hbm4b:s13+s3], $0x4000, $0x38;
	[tilespmem:$0x1FA80] =	vst v63  }
0x67: {  	_ =	swait.ge [sflag:s7], $0x80  }
0x68: {  	[sflag:s7] =	ssyncset.done $0x0  }
0x69: {  	[sflag:s7] =	ssyncadd.s32 $0xFFFFFF80  }
0x6a: {  	_ =	swait.ge [sflag:s7], $0x4000  }
0x6b: {  	[sflag:s7] =	ssyncset.done $0x0  }
0x6c: {  	[sflag:s7] =	ssyncadd.s32 $0xFFFFC000  }
0x6d: {  	[spmem:s2] =	stream.indirect.scatter.add.f32 [tilespmem:s29], [sflag:$0x5], $0x80, s28, s5, $0xb8;
	[tilespmem:$0x1FA80] =	vst v63  }
0x6e: {  	_ =	swait.ge [sflag:s8], $0x4000  }
0x6f: {  	[sflag:s8] =	ssyncset.done $0x0  }
0x70: {  	s14 =	sadd.s32 $0xFFFFFE00, s22;
	[sflag:s8] =	ssyncadd.s32 $0xFFFFC000  }
0x71: {  	[tilespmem:s28], [sflag:$0x2] =	stream.linear.gather [hbm4b:s14+s3], $0x80, $0x38;
	[tilespmem:$0x1FA80] =	vst v63  }
0x72: {  	s13 =	sadd.s32 $0x40000, s12  }
0x73: {  	[tilespmem:s29], [sflag:$0x2] =	stream.linear.gather [hbm4b:s13+s3], $0x4000, $0x38;
	[tilespmem:$0x1FA80] =	vst v63  }
0x74: {  	_ =	swait.ge [sflag:s9], $0x80  }
0x75: {  	[sflag:s9] =	ssyncset.done $0x0  }
0x76: {  	[sflag:s9] =	ssyncadd.s32 $0xFFFFFF80  }
0x77: {  	_ =	swait.ge [sflag:s9], $0x4000  }
0x78: {  	[sflag:s9] =	ssyncset.done $0x0  }
0x79: {  	[sflag:s9] =	ssyncadd.s32 $0xFFFFC000  }
0x7a: {  	[spmem:s2] =	stream.indirect.scatter.add.f32 [tilespmem:s31], [sflag:$0x6], $0x80, s30, s5, $0xb8;
	[tilespmem:$0x1FA80] =	vst v63  }
0x7b: {  	_ =	swait.ge [sflag:s10], $0x4000  }
0x7c: {  	[sflag:s10] =	ssyncset.done $0x0  }
0x7d: {  	[sflag:s10] =	ssyncadd.s32 $0xFFFFC000  }
0x7e: {  	[tilespmem:s30], [sflag:$0x3] =	stream.linear.gather [hbm4b:s22+s3], $0x80, $0x38;
	[tilespmem:$0x1FA80] =	vst v63  }
0x7f: {  	s14 =	sadd.s32 $0x50000, s12  }
0x80: {  	[tilespmem:s31], [sflag:$0x3] =	stream.linear.gather [hbm4b:s14+s3], $0x4000, $0x38;
	[tilespmem:$0x1FA80] =	vst v63  }
0x81: {  	_ =	swait.ge [sflag:s0], $0x80  }
0x82: {  	[sflag:s0] =	ssyncset.done $0x0  }
0x83: {  	[sflag:s0] =	ssyncadd.s32 $0xFFFFFF80  }
0x84: {  	_ =	swait.ge [sflag:s0], $0x4000  }
0x85: {  	[sflag:s0] =	ssyncset.done $0x0  }
0x86: {  	s1 =	sadd.s32 $0x600, s22;
	s12 =	simm.s32 $0x30000;
	[sflag:s0] =	ssyncadd.s32 $0xFFFFC000  }
.LBB2_4:
0x87: {  	[spmem:s2] =	stream.indirect.scatter.add.f32 [tilespmem:s23], [sflag:$0x4], $0x80, s26, s5, $0xb8;
	[tilespmem:$0x1FA80] =	vst v63  }
0x88: {  	s13 =	smov.u32 s12  }
0x89: {  	p1 =	sne.s32 s12, $0x480000;
	s12 =	sadd.s32 $0x30000, s12;
	_ =	swait.ge [sflag:s6], $0x4000  }
0x8a: {  	[sflag:s6] =	ssyncset.done $0x0  }
0x8b: {  	s14 =	sadd.s32 $0xFFFFFC00, s1;
	s13 =	sadd.s32 s13, s21;
	[sflag:s6] =	ssyncadd.s32 $0xFFFFC000  }
0x8c: {  	[tilespmem:s26], [sflag:$0x1] =	stream.linear.gather [hbm4b:s14+s3], $0x80, $0x38;
	[tilespmem:$0x1FA80] =	vst v63  }
0x8d: {  	s14 =	sadd.s32 $0x30000, s13  }
0x8e: {  	[tilespmem:s23], [sflag:$0x1] =	stream.linear.gather [hbm4b:s14+s3], $0x4000, $0x38;
	[tilespmem:$0x1FA80] =	vst v63  }
0x8f: {  	_ =	swait.ge [sflag:s7], $0x80  }
0x90: {  	[sflag:s7] =	ssyncset.done $0x0  }
0x91: {  	[sflag:s7] =	ssyncadd.s32 $0xFFFFFF80  }
0x92: {  	_ =	swait.ge [sflag:s7], $0x4000  }
0x93: {  	[sflag:s7] =	ssyncset.done $0x0  }
0x94: {  	[sflag:s7] =	ssyncadd.s32 $0xFFFFC000  }
0x95: {  	[spmem:s2] =	stream.indirect.scatter.add.f32 [tilespmem:s29], [sflag:$0x5], $0x80, s28, s5, $0xb8;
	[tilespmem:$0x1FA80] =	vst v63  }
0x96: {  	_ =	swait.ge [sflag:s8], $0x4000  }
0x97: {  	[sflag:s8] =	ssyncset.done $0x0  }
0x98: {  	s14 =	sadd.s32 $0xFFFFFE00, s1;
	[sflag:s8] =	ssyncadd.s32 $0xFFFFC000  }
0x99: {  	[tilespmem:s28], [sflag:$0x2] =	stream.linear.gather [hbm4b:s14+s3], $0x80, $0x38;
	[tilespmem:$0x1FA80] =	vst v63  }
0x9a: {  	s14 =	sadd.s32 $0x40000, s13  }
0x9b: {  	[tilespmem:s29], [sflag:$0x2] =	stream.linear.gather [hbm4b:s14+s3], $0x4000, $0x38;
	[tilespmem:$0x1FA80] =	vst v63  }
0x9c: {  	_ =	swait.ge [sflag:s9], $0x80  }
0x9d: {  	[sflag:s9] =	ssyncset.done $0x0  }
0x9e: {  	[sflag:s9] =	ssyncadd.s32 $0xFFFFFF80  }
0x9f: {  	_ =	swait.ge [sflag:s9], $0x4000  }
0xa0: {  	[sflag:s9] =	ssyncset.done $0x0  }
0xa1: {  	[sflag:s9] =	ssyncadd.s32 $0xFFFFC000  }
0xa2: {  	[spmem:s2] =	stream.indirect.scatter.add.f32 [tilespmem:s31], [sflag:$0x6], $0x80, s30, s5, $0xb8;
	[tilespmem:$0x1FA80] =	vst v63  }
0xa3: {  	_ =	swait.ge [sflag:s10], $0x4000  }
0xa4: {  	[sflag:s10] =	ssyncset.done $0x0  }
0xa5: {  	[sflag:s10] =	ssyncadd.s32 $0xFFFFC000  }
0xa6: {  	[tilespmem:s30], [sflag:$0x3] =	stream.linear.gather [hbm4b:s1+s3], $0x80, $0x38;
	[tilespmem:$0x1FA80] =	vst v63  }
0xa7: {  	s13 =	sadd.s32 $0x50000, s13  }
0xa8: {  	[tilespmem:s31], [sflag:$0x3] =	stream.linear.gather [hbm4b:s13+s3], $0x4000, $0x38;
	[tilespmem:$0x1FA80] =	vst v63  }
0xa9: {  	_ =	swait.ge [sflag:s0], $0x80  }
.Ltmp1:
0xaa: {  	[sflag:s0] =	ssyncset.done $0x0;
	(pc) =	sbr.rel @p1 .LBB2_4-.Ltmp1, $4  }
0xab: {  	[sflag:s0] =	ssyncadd.s32 $0xFFFFFF80  }
0xac: {  	_ =	swait.ge [sflag:s0], $0x4000  }
0xad: {  	[sflag:s0] =	ssyncset.done $0x0  }
0xae: {  	s1 =	sadd.s32 $0x600, s1;
	[sflag:s0] =	ssyncadd.s32 $0xFFFFC000  }
0xaf: {  	[spmem:s2] =	stream.indirect.scatter.add.f32 [tilespmem:s23], [sflag:$0x4], $0x80, s26, s5, $0xb8;
	[tilespmem:$0x1FA80] =	vst v63  }
0xb0: {  	_ =	swait.ge [sflag:s6], $0x4000  }
0xb1: {  	[sflag:s6] =	ssyncset.done $0x0  }
0xb2: {  	[sflag:s6] =	ssyncadd.s32 $0xFFFFC000  }
0xb3: {  	_ =	swait.ge [sflag:s7], $0x80  }
0xb4: {  	[sflag:s7] =	ssyncset.done $0x0  }
0xb5: {  	[sflag:s7] =	ssyncadd.s32 $0xFFFFFF80  }
0xb6: {  	_ =	swait.ge [sflag:s7], $0x4000  }
0xb7: {  	[sflag:s7] =	ssyncset.done $0x0  }
0xb8: {  	[sflag:s7] =	ssyncadd.s32 $0xFFFFC000  }
0xb9: {  	[spmem:s2] =	stream.indirect.scatter.add.f32 [tilespmem:s29], [sflag:$0x5], $0x80, s28, s5, $0xb8;
	[tilespmem:$0x1FA80] =	vst v63  }
0xba: {  	_ =	swait.ge [sflag:s8], $0x4000  }
0xbb: {  	[sflag:s8] =	ssyncset.done $0x0  }
0xbc: {  	[sflag:s8] =	ssyncadd.s32 $0xFFFFC000  }
0xbd: {  	_ =	swait.ge [sflag:s9], $0x80  }
0xbe: {  	[sflag:s9] =	ssyncset.done $0x0  }
0xbf: {  	[sflag:s9] =	ssyncadd.s32 $0xFFFFFF80  }
0xc0: {  	_ =	swait.ge [sflag:s9], $0x4000  }
0xc1: {  	[sflag:s9] =	ssyncset.done $0x0  }
0xc2: {  	[sflag:s9] =	ssyncadd.s32 $0xFFFFC000  }
0xc3: {  	[spmem:s2] =	stream.indirect.scatter.add.f32 [tilespmem:s31], [sflag:$0x6], $0x80, s30, s5, $0xb8;
	[tilespmem:$0x1FA80] =	vst v63  }
0xc4: {  	_ =	swait.ge [sflag:s10], $0x4000  }
0xc5: {  	[sflag:s10] =	ssyncset.done $0x0  }
0xc6: {  	s1 =	sshll.u32 @p0 s16, $0x6;
	[sflag:s10] =	ssyncadd.s32 $0xFFFFC000  }
0xc7: {  	s12 =	sshrl.u32 @p0 s4, $0x3;
	s1 =	sor.u32 @p0 $0x1C07, s1;
	[bflag:$0x0] =	sbarrier.arrive @p0 $0xFFFF  }
0xc8: {  	[hbm:s15], [sflag:s1] =	dma.local @p0 [spmem:s12], $0x2700  }
0xc9: {  	s1 =	simm.s32 @p0 $0x7  }
0xca: {  	_ =	swait.ge @p0 [sflag:s1], $0x2700  }
0xcb: {  	s13 =	simm.s32 @!p0 $0x7;
	[sflag:s1] =	ssyncset.done @p0 $0x0  }
0xcc: {  	s12 =	simm.s32 @!p0 $0x13880;
	[sflag:s1] =	ssyncadd.s32 @p0 $0xFFFFD900;
	s1 =	simm.s32 @!p0 $0x0  }
0xcd: {  	[tilespmem:s12], [sflag:$0x7] =	stream.linear.gather @!p0 [hbm4b:s18+s1], $0x80, $0x38;
	[tilespmem:$0x1FA80] =	vst v63  }
0xce: {  	_ =	swait.ge @!p0 [sflag:s13], $0x80  }
0xcf: {  	[sflag:s13] =	ssyncset.done @!p0 $0x0  }
0xd0: {  	s14 =	simm.s32 @!p0 $0x13A80;
	[sflag:s13] =	ssyncadd.s32 @!p0 $0xFFFFFF80  }
0xd1: {  	[tilespmem:s14], [sflag:$0x7] =	stream.linear.gather @!p0 [hbm4b:s19+s1], $0x4000, $0x38;
	[tilespmem:$0x1FA80] =	vst v63  }
0xd2: {  	_ =	swait.ge @!p0 [sflag:s13], $0x4000  }
0xd3: {  	[sflag:s13] =	ssyncset.done @!p0 $0x0  }
0xd4: {  	s1 =	simm.s32 @!p0 $0x80;
	[sflag:s13] =	ssyncadd.s32 @!p0 $0xFFFFC000  }
0xd5: {  	[spmem:s2] =	stream.indirect.scatter.add.f32 @!p0 [tilespmem:s14], [sflag:$0x7], $0x80, s12, s1, $0xb8;
	[tilespmem:$0x1FA80] =	vst v63  }
0xd6: {  	_ =	swait.ge @!p0 [sflag:s13], $0x4000  }
0xd7: {  	[sflag:s13] =	ssyncset.done @!p0 $0x0  }
0xd8: {  	s1 =	sshll.u32 @!p0 s16, $0x6;
	[sflag:s13] =	ssyncadd.s32 @!p0 $0xFFFFC000  }
0xd9: {  	s12 =	sshrl.u32 @!p0 s4, $0x3;
	s1 =	sor.u32 @!p0 $0x1C07, s1;
	[bflag:$0x0] =	sbarrier.arrive @!p0 $0xFFFF  }
0xda: {  	[hbm:s15], [sflag:s1] =	dma.local @!p0 [spmem:s12], $0x2700  }
0xdb: {  	s11 =	sadd.s32 $0x1, s11;
	_ =	swait.ge @!p0 [sflag:s13], $0x2700  }
0xdc: {  	p1 =	sne.s32 s11, s20;
	[sflag:s13] =	ssyncset.done @!p0 $0x0  }
.Ltmp2:
0xdd: {  	s12 =	rddreg [dreg:$0xf];
	[sflag:s13] =	ssyncadd.s32 @!p0 $0xFFFFD900;
	(pc) =	sbr.rel @p1 .LBB2_1-.Ltmp2, $4  }
0xde: {  	[hbm:s12], [sflag:s1] =	dma.local @!p0 [spmem:s25], $0x80  }
0xdf: {  	_ =	swait.ge @!p0 [sflag:s13], $0x80  }
0xe0: {  	[sflag:s13] =	ssyncset.done @!p0 $0x0  }
0xe1: {  	s14 =	stileid.u32;
	[sflag:s13] =	ssyncadd.s32 @!p0 $0xFFFFFF80  }
0xe2: {  	_ =	sfence.sel $0x180000  }
0xe3: {  	[bflag:$0x0] =	sbarrier.arrive $0xFFFF  }
0xe4: {  	_ =	strace $0x90000047  }
0xe5: {  	[bflag:$0x2] =	sbarrier.arrive $0xFFFF  }
0xe6: {  	p0 =	sne.s32 s14, $0x0;
	s0 =	rddreg [dreg:$0x4]  }
0xe7: {  	s0 =	sadd.s32 @!p0 $0x100000, s0  }
0xe8: {  	[sflag:s0] =	ssyncadd.tile.s32 @!p0 $0x1;
	_ =	shalt  }
.Lfunc_end2:
_tile_overlayer_lowered:
.L_overlay_start_2:
0xe9: {  	(tag) =	ssettag $0x2  }
0xea: {  	s0 =	rddreg [dreg:$0x0];
	s2 =	stileid.u32  }
0xeb: {  	s1 =	rddreg [dreg:$0x1];
	p0 =	sne.s32 s2, $0x0  }
0xec: {  	s3 =	rddreg [dreg:$0x2];
	[bflag:$0x3] =	sbarrier.arrive $0xFFFF;
	s2 =	simm.s32 @!p0 $0x1C07  }
0xed: {  	[timem:s3], [sflag:s2] =	dma.local @!p0 [hbm:s0], s1  }
0xee: {  	s0 =	simm.s32 @!p0 $0x7  }
0xef: {  	_ =	swait.ge @!p0 [sflag:s0], s1  }
0xf0: {  	s1 =	ssub.s32 @!p0 $0x0, s1;
	[sflag:s0] =	ssyncset.done @!p0 $0x0  }
0xf1: {  	[sflag:s0] =	ssyncadd.s32 @!p0 s1  }
0xf2: {  	[bflag:$0x3] =	sbarrier.arrive $0xFFFF  }
0xf3: {  	_ =	shalt  }

</sc_bundles>
